<compile_context>
chip_gen: v7x
topology: tpu7x:2x2x1
jax: 0.10.2.dev20260603
libtpu: 0.0.44.dev20260713+nightly
codegen_flags: <defaults>
</compile_context>

<pallas_src>
import functools

import jax
import jax.numpy as jnp
from jax import lax
from jax.experimental import pallas as pl
from jax.experimental.pallas import tpu as pltpu
from jax.experimental.pallas import tpu_sc as plsc

_NC = 2
_NS = 16
_NW = _NC * _NS
_L = 16

_B = 4
_R = 8192
_C = 4096
_N = _B * _C
_PER_W = _N // _NW
_CHUNKS = 4
_CHUNK = _PER_W // _CHUNKS


def _gather_body(x_hbm, idx_hbm, out_hbm, idx_v, fidx_v, out_v,
                 idx_sem, sem, out_sem):
    wid = lax.axis_index("s") * _NC + lax.axis_index("c")
    e0 = wid * _PER_W
    b = e0 // _C
    cbase = e0 % _C

    lane = lax.iota(jnp.int32, _L)

    idx_copies = [
        pltpu.async_copy(
            idx_hbm.at[b, 0, pl.ds(cbase + j * _CHUNK, _CHUNK)],
            idx_v.at[pl.ds(j * _CHUNK, _CHUNK)],
            idx_sem,
        )
        for j in range(_CHUNKS)
    ]

    gathers = []
    for j in range(_CHUNKS):
        idx_copies[j].wait()
        for i in range(_CHUNK // _L):
            c = cbase + j * _CHUNK + i * _L
            v = idx_v[pl.ds(j * _CHUNK + i * _L, _L)]
            r = v + b * _R
            addr = (
                (r >> 3) * 32768
                + (r & 7) * 128
                + ((c >> 7) * 1024 + (c & 127))
                + lane
            )
            fidx_v[pl.ds(j * _CHUNK + i * _L, _L)] = addr
        gathers.append(
            pltpu.async_copy(
                x_hbm.at[fidx_v.at[pl.ds(j * _CHUNK, _CHUNK)]],
                out_v.at[pl.ds(j * _CHUNK, _CHUNK)],
                sem,
            )
        )

    out_copies = []
    for j in range(_CHUNKS):
        gathers[j].wait()
        out_copies.append(
            pltpu.async_copy(
                out_v.at[pl.ds(j * _CHUNK, _CHUNK)],
                out_hbm.at[b, 0, pl.ds(cbase + j * _CHUNK, _CHUNK)],
                out_sem,
            )
        )
    for cp in out_copies:
        cp.wait()


@jax.jit
def kernel(x, index):
    x_phys = (
        x.reshape(_B * _R // 8, 8, _C // 128, 128)
        .transpose(0, 2, 1, 3)
        .reshape(-1)
    )

    mesh = plsc.VectorSubcoreMesh(core_axis_name="c", subcore_axis_name="s")
    run = functools.partial(
        pl.kernel,
        mesh=mesh,
        out_type=jax.ShapeDtypeStruct((_B, 1, _C), jnp.float32),
        scratch_types=[
            pltpu.VMEM((_PER_W,), jnp.int32),
            pltpu.VMEM((_PER_W,), jnp.int32),
            pltpu.VMEM((_PER_W,), jnp.float32),
            pltpu.SemaphoreType.DMA,
            pltpu.SemaphoreType.DMA,
            pltpu.SemaphoreType.DMA,
        ],
        compiler_params=pltpu.CompilerParams(
            disable_bounds_checks=True,
            disable_semaphore_checks=True,
            skip_device_barrier=True,
        ),
    )(_gather_body)
    return run(x_phys, index)

# --- scband reference (transcript-rebuilt; emitter-appended) ---
"""Pipeline reference for scband-variable-index-pool-31413390803515 (READ-ONLY COPY).

The authoritative reference and input builder live on the scoring server;
editing this copy changes nothing except your own understanding.
"""

import jax, jax.numpy as jnp
import numpy as np


def setup_inputs(seed: int = 0) -> dict:
    key = jax.random.key(seed)
    k1, k2 = jax.random.split(key)
    x = jax.random.normal(k1, (4, 8192, 4096), dtype=jnp.float32)
    index = jax.random.randint(k2, (4, 1, 4096), 0, 8192, dtype=jnp.int32)
    return {"x": x, "index": index}


def reference(x, index):
    # torch: x.gather(dim=1, index=index)  ->  jnp.take_along_axis(x, index, axis=1)
    return jnp.take_along_axis(x, index, axis=1)

if __name__ == "__main__":
    import jax
    _d = setup_inputs()
    print(jax.jit(kernel)(*tuple(_d.values())))

</pallas_src>

<mosaic_0001>
#map = affine_map<(d0, d1) -> (0)>
#map1 = affine_map<(d0, d1) -> (0, 0, 0)>
module attributes {stable_mosaic.version = 14 : i64} {
  func.func @_gather_body(%arg0: i32, %arg1: i32, %arg2: memref<134217728xf32, #tpu.memory_space<hbm>>, %arg3: memref<4x1x4096xi32, #tpu.memory_space<hbm>>, %arg4: memref<4x1x4096xf32, #tpu.memory_space<hbm>>, %arg5: memref<512xi32, #tpu.memory_space<vmem>>, %arg6: memref<512xi32, #tpu.memory_space<vmem>>, %arg7: memref<512xf32, #tpu.memory_space<vmem>>, %arg8: memref<!tpu.dma_semaphore, #tpu.memory_space<semaphore_mem>>, %arg9: memref<!tpu.dma_semaphore, #tpu.memory_space<semaphore_mem>>, %arg10: memref<!tpu.dma_semaphore, #tpu.memory_space<semaphore_mem>>) attributes {dimension_semantics = [#tpu.dimension_semantics<core_parallel>, #tpu.dimension_semantics<subcore_parallel>], iteration_bounds = array<i64: 2, 16>, scalar_prefetch = 0 : i64, scratch_operands = 6 : i64, tpu.core_type = #tpu.core_type<sc_vector_subcore>, window_params = [{transform_indices = #map}, {transform_indices = #map1}, {transform_indices = #map1}]} {
    %mul3A = arith.constant 2 : i32
    %mul3A_0 = arith.muli %arg1, %mul3A : i32
    %add3A = arith.addi %mul3A_0, %arg0 : i32
    %mul3A_1 = arith.constant 512 : i32
    %mul3A_2 = arith.muli %add3A, %mul3A_1 : i32
    %jit3A = arith.constant 4096 : i32
    %div3A = arith.divsi %mul3A_2, %jit3A : i32
    %sign3A = arith.constant 0 : i32
    %sign3A_3 = arith.cmpi sgt, %mul3A_2, %sign3A : i32
    %sign3A_4 = arith.extui %sign3A_3 : i1 to i32
    %sign3A_5 = arith.constant 0 : i32
    %sign3A_6 = arith.cmpi slt, %mul3A_2, %sign3A_5 : i32
    %sign3A_7 = arith.extui %sign3A_6 : i1 to i32
    %sign3A_8 = arith.subi %sign3A_4, %sign3A_7 : i32
    %sign3A_9 = arith.constant 0 : i32
    %sign3A_10 = arith.cmpi sgt, %jit3A, %sign3A_9 : i32
    %sign3A_11 = arith.extui %sign3A_10 : i1 to i32
    %sign3A_12 = arith.constant 0 : i32
    %sign3A_13 = arith.cmpi slt, %jit3A, %sign3A_12 : i32
    %sign3A_14 = arith.extui %sign3A_13 : i1 to i32
    %sign3A_15 = arith.subi %sign3A_11, %sign3A_14 : i32
    %ne3A = arith.cmpi ne, %sign3A_8, %sign3A_15 : i32
    %rem3A = arith.remsi %mul3A_2, %jit3A : i32
    %ne3A_16 = arith.constant 0 : i32
    %ne3A_17 = arith.cmpi ne, %rem3A, %ne3A_16 : i32
    %and3A = arith.andi %ne3A, %ne3A_17 : i1
    %sub3A = arith.constant 1 : i32
    %sub3A_18 = arith.subi %div3A, %sub3A : i32
    %select_n3A = arith.select %and3A, %sub3A_18, %div3A : i32
    %jit3A_19 = arith.constant 4096 : i32
    %eq3A = arith.constant 0 : i32
    %eq3A_20 = arith.cmpi eq, %jit3A_19, %eq3A : i32
    %jit3A_21 = arith.constant 1 : i32
    %select_n3A_22 = arith.select %eq3A_20, %jit3A_21, %jit3A_19 : i32
    %rem3A_23 = arith.remsi %mul3A_2, %select_n3A_22 : i32
    %ne3A_24 = arith.constant 0 : i32
    %ne3A_25 = arith.cmpi ne, %rem3A_23, %ne3A_24 : i32
    %lt3A = arith.constant 0 : i32
    %lt3A_26 = arith.cmpi slt, %rem3A_23, %lt3A : i32
    %lt3A_27 = arith.constant 0 : i32
    %lt3A_28 = arith.cmpi slt, %select_n3A_22, %lt3A_27 : i32
    %ne3A_29 = arith.xori %lt3A_26, %lt3A_28 : i1
    %and3A_30 = arith.andi %ne3A_29, %ne3A_25 : i1
    %add3A_31 = arith.addi %rem3A_23, %select_n3A_22 : i32
    %select_n3A_32 = arith.select %and3A_30, %add3A_31, %rem3A_23 : i32
    %iota3A = tpu.iota {dimensions = array<i32: 0>} : vector<16xi32>
    %add3A_33 = arith.constant 0 : i32
    %add3A_34 = arith.addi %select_n3A_32, %add3A_33 : i32
    %dma_start3A = arith.constant 0 : i32
    %dma_start3A_35 = arith.constant 0 : i32
    %dma_start3A_36 = tpu.memref_slice %arg5[%dma_start3A_35] : memref<512xi32, #tpu.memory_space<vmem>> -> memref<128xi32, #tpu.memory_space<vmem>>
    %dma_start3A_37 = tpu.memref_slice %arg3[%select_n3A, %dma_start3A, %add3A_34] : memref<4x1x4096xi32, #tpu.memory_space<hbm>> -> memref<1x1x128xi32, #tpu.memory_space<hbm>>
    %dma_start3A_38 = tpu.memref_squeeze %dma_start3A_37 : memref<1x1x128xi32, #tpu.memory_space<hbm>> -> memref<128xi32, #tpu.memory_space<hbm>>
    %dma_start3A_39 = arith.constant 0 : i32
    %dma_start3A_40 = tpu.memref_slice %arg5[%dma_start3A_39] : memref<512xi32, #tpu.memory_space<vmem>> -> memref<128xi32, #tpu.memory_space<vmem>>
    %dma_start3A_41 = tpu.memref_slice %arg3[%select_n3A, %dma_start3A, %add3A_34] : memref<4x1x4096xi32, #tpu.memory_space<hbm>> -> memref<1x1x128xi32, #tpu.memory_space<hbm>>
    %dma_start3A_42 = tpu.memref_squeeze %dma_start3A_41 : memref<1x1x128xi32, #tpu.memory_space<hbm>> -> memref<128xi32, #tpu.memory_space<hbm>>
    tpu.enqueue_dma source(%dma_start3A_42 : memref<128xi32, #tpu.memory_space<hbm>>) target(%dma_start3A_40 : memref<128xi32, #tpu.memory_space<vmem>>) target_semaphore(%arg8 : memref<!tpu.dma_semaphore, #tpu.memory_space<semaphore_mem>>)
    %add3A_43 = arith.constant 128 : i32
    %add3A_44 = arith.addi %select_n3A_32, %add3A_43 : i32
    %dma_start3A_45 = arith.constant 0 : i32
    %dma_start3A_46 = arith.constant 128 : i32
    %dma_start3A_47 = tpu.memref_slice %arg5[%dma_start3A_46] : memref<512xi32, #tpu.memory_space<vmem>> -> memref<128xi32, #tpu.memory_space<vmem>>
    %dma_start3A_48 = tpu.memref_slice %arg3[%select_n3A, %dma_start3A_45, %add3A_44] : memref<4x1x4096xi32, #tpu.memory_space<hbm>> -> memref<1x1x128xi32, #tpu.memory_space<hbm>>
    %dma_start3A_49 = tpu.memref_squeeze %dma_start3A_48 : memref<1x1x128xi32, #tpu.memory_space<hbm>> -> memref<128xi32, #tpu.memory_space<hbm>>
    %dma_start3A_50 = arith.constant 128 : i32
    %dma_start3A_51 = tpu.memref_slice %arg5[%dma_start3A_50] : memref<512xi32, #tpu.memory_space<vmem>> -> memref<128xi32, #tpu.memory_space<vmem>>
    %dma_start3A_52 = tpu.memref_slice %arg3[%select_n3A, %dma_start3A_45, %add3A_44] : memref<4x1x4096xi32, #tpu.memory_space<hbm>> -> memref<1x1x128xi32, #tpu.memory_space<hbm>>
    %dma_start3A_53 = tpu.memref_squeeze %dma_start3A_52 : memref<1x1x128xi32, #tpu.memory_space<hbm>> -> memref<128xi32, #tpu.memory_space<hbm>>
    tpu.enqueue_dma source(%dma_start3A_53 : memref<128xi32, #tpu.memory_space<hbm>>) target(%dma_start3A_51 : memref<128xi32, #tpu.memory_space<vmem>>) target_semaphore(%arg8 : memref<!tpu.dma_semaphore, #tpu.memory_space<semaphore_mem>>)
    %add3A_54 = arith.constant 256 : i32
    %add3A_55 = arith.addi %select_n3A_32, %add3A_54 : i32
    %dma_start3A_56 = arith.constant 0 : i32
    %dma_start3A_57 = arith.constant 256 : i32
    %dma_start3A_58 = tpu.memref_slice %arg5[%dma_start3A_57] : memref<512xi32, #tpu.memory_space<vmem>> -> memref<128xi32, #tpu.memory_space<vmem>>
    %dma_start3A_59 = tpu.memref_slice %arg3[%select_n3A, %dma_start3A_56, %add3A_55] : memref<4x1x4096xi32, #tpu.memory_space<hbm>> -> memref<1x1x128xi32, #tpu.memory_space<hbm>>
    %dma_start3A_60 = tpu.memref_squeeze %dma_start3A_59 : memref<1x1x128xi32, #tpu.memory_space<hbm>> -> memref<128xi32, #tpu.memory_space<hbm>>
    %dma_start3A_61 = arith.constant 256 : i32
    %dma_start3A_62 = tpu.memref_slice %arg5[%dma_start3A_61] : memref<512xi32, #tpu.memory_space<vmem>> -> memref<128xi32, #tpu.memory_space<vmem>>
    %dma_start3A_63 = tpu.memref_slice %arg3[%select_n3A, %dma_start3A_56, %add3A_55] : memref<4x1x4096xi32, #tpu.memory_space<hbm>> -> memref<1x1x128xi32, #tpu.memory_space<hbm>>
    %dma_start3A_64 = tpu.memref_squeeze %dma_start3A_63 : memref<1x1x128xi32, #tpu.memory_space<hbm>> -> memref<128xi32, #tpu.memory_space<hbm>>
    tpu.enqueue_dma source(%dma_start3A_64 : memref<128xi32, #tpu.memory_space<hbm>>) target(%dma_start3A_62 : memref<128xi32, #tpu.memory_space<vmem>>) target_semaphore(%arg8 : memref<!tpu.dma_semaphore, #tpu.memory_space<semaphore_mem>>)
    %add3A_65 = arith.constant 384 : i32
    %add3A_66 = arith.addi %select_n3A_32, %add3A_65 : i32
    %dma_start3A_67 = arith.constant 0 : i32
    %dma_start3A_68 = arith.constant 384 : i32
    %dma_start3A_69 = tpu.memref_slice %arg5[%dma_start3A_68] : memref<512xi32, #tpu.memory_space<vmem>> -> memref<128xi32, #tpu.memory_space<vmem>>
    %dma_start3A_70 = tpu.memref_slice %arg3[%select_n3A, %dma_start3A_67, %add3A_66] : memref<4x1x4096xi32, #tpu.memory_space<hbm>> -> memref<1x1x128xi32, #tpu.memory_space<hbm>>
    %dma_start3A_71 = tpu.memref_squeeze %dma_start3A_70 : memref<1x1x128xi32, #tpu.memory_space<hbm>> -> memref<128xi32, #tpu.memory_space<hbm>>
    %dma_start3A_72 = arith.constant 384 : i32
    %dma_start3A_73 = tpu.memref_slice %arg5[%dma_start3A_72] : memref<512xi32, #tpu.memory_space<vmem>> -> memref<128xi32, #tpu.memory_space<vmem>>
    %dma_start3A_74 = tpu.memref_slice %arg3[%select_n3A, %dma_start3A_67, %add3A_66] : memref<4x1x4096xi32, #tpu.memory_space<hbm>> -> memref<1x1x128xi32, #tpu.memory_space<hbm>>
    %dma_start3A_75 = tpu.memref_squeeze %dma_start3A_74 : memref<1x1x128xi32, #tpu.memory_space<hbm>> -> memref<128xi32, #tpu.memory_space<hbm>>
    tpu.enqueue_dma source(%dma_start3A_75 : memref<128xi32, #tpu.memory_space<hbm>>) target(%dma_start3A_73 : memref<128xi32, #tpu.memory_space<vmem>>) target_semaphore(%arg8 : memref<!tpu.dma_semaphore, #tpu.memory_space<semaphore_mem>>)
    %dma_wait3A = arith.constant 0 : i32
    %dma_wait3A_76 = arith.constant 0 : i32
    %dma_wait3A_77 = tpu.memref_slice %arg5[%dma_wait3A_76] : memref<512xi32, #tpu.memory_space<vmem>> -> memref<128xi32, #tpu.memory_space<vmem>>
    %dma_wait3A_78 = tpu.memref_slice %arg3[%select_n3A, %dma_wait3A, %add3A_34] : memref<4x1x4096xi32, #tpu.memory_space<hbm>> -> memref<1x1x128xi32, #tpu.memory_space<hbm>>
    %dma_wait3A_79 = tpu.memref_squeeze %dma_wait3A_78 : memref<1x1x128xi32, #tpu.memory_space<hbm>> -> memref<128xi32, #tpu.memory_space<hbm>>
    %dma_wait3A_80 = arith.constant 0 : i32
    %dma_wait3A_81 = tpu.memref_slice %arg5[%dma_wait3A_80] : memref<512xi32, #tpu.memory_space<vmem>> -> memref<128xi32, #tpu.memory_space<vmem>>
    %dma_wait3A_82 = tpu.memref_slice %arg3[%select_n3A, %dma_wait3A, %add3A_34] : memref<4x1x4096xi32, #tpu.memory_space<hbm>> -> memref<1x1x128xi32, #tpu.memory_space<hbm>>
    %dma_wait3A_83 = tpu.memref_squeeze %dma_wait3A_82 : memref<1x1x128xi32, #tpu.memory_space<hbm>> -> memref<128xi32, #tpu.memory_space<hbm>>
    tpu.wait_dma2 semaphore(%arg8 : memref<!tpu.dma_semaphore, #tpu.memory_space<semaphore_mem>>) src(%dma_wait3A_83 : memref<128xi32, #tpu.memory_space<hbm>>) dst(%dma_wait3A_81 : memref<128xi32, #tpu.memory_space<vmem>>)
    %add3A_84 = arith.constant 0 : i32
    %add3A_85 = arith.addi %select_n3A_32, %add3A_84 : i32
    %add3A_86 = arith.constant 0 : i32
    %add3A_87 = arith.addi %add3A_85, %add3A_86 : i32
    %get3A = arith.constant 0 : index
    %get3A_88 = tpu.vector_load %arg5[%get3A] {strides = array<i32>} : memref<512xi32, #tpu.memory_space<vmem>>, vector<16xi32>,
    %get3A_89 = vector.shape_cast %get3A_88 : vector<16xi32> to vector<16xi32>
    %mul3A_90 = arith.constant 8192 : i32
    %mul3A_91 = arith.muli %select_n3A, %mul3A_90 : i32
    %add3A_92 = vector.broadcast %mul3A_91 : i32 to vector<16xi32>
    %add3A_93 = arith.addi %get3A_89, %add3A_92 : vector<16xi32>
    %shift_right_arithmetic3A = arith.constant 3 : i32
    %shift_right_arithmetic3A_94 = vector.broadcast %shift_right_arithmetic3A : i32 to vector<16xi32>
    %shift_right_arithmetic3A_95 = arith.shrsi %add3A_93, %shift_right_arithmetic3A_94 : vector<16xi32>
    %mul3A_96 = arith.constant 32768 : i32
    %mul3A_97 = vector.broadcast %mul3A_96 : i32 to vector<16xi32>
    %mul3A_98 = arith.muli %shift_right_arithmetic3A_95, %mul3A_97 : vector<16xi32>
    %and3A_99 = arith.constant 7 : i32
    %and3A_100 = vector.broadcast %and3A_99 : i32 to vector<16xi32>
    %and3A_101 = arith.andi %add3A_93, %and3A_100 : vector<16xi32>
    %mul3A_102 = arith.constant 128 : i32
    %mul3A_103 = vector.broadcast %mul3A_102 : i32 to vector<16xi32>
    %mul3A_104 = arith.muli %and3A_101, %mul3A_103 : vector<16xi32>
    %add3A_105 = arith.addi %mul3A_98, %mul3A_104 : vector<16xi32>
    %shift_right_arithmetic3A_106 = arith.constant 7 : i32
    %shift_right_arithmetic3A_107 = arith.shrsi %add3A_87, %shift_right_arithmetic3A_106 : i32
    %mul3A_108 = arith.constant 1024 : i32
    %mul3A_109 = arith.muli %shift_right_arithmetic3A_107, %mul3A_108 : i32
    %and3A_110 = arith.constant 127 : i32
    %and3A_111 = arith.andi %add3A_87, %and3A_110 : i32
    %add3A_112 = arith.addi %mul3A_109, %and3A_111 : i32
    %add3A_113 = vector.broadcast %add3A_112 : i32 to vector<16xi32>
    %add3A_114 = arith.addi %add3A_105, %add3A_113 : vector<16xi32>
    %add3A_115 = arith.addi %add3A_114, %iota3A : vector<16xi32>
    %swap3A = arith.constant 0 : index
    %swap3A_116 = tpu.vector_load %arg6[%swap3A] {strides = array<i32>} : memref<512xi32, #tpu.memory_space<vmem>>, vector<16xi32>,
    %swap3A_117 = vector.shape_cast %swap3A_116 : vector<16xi32> to vector<16xi32>
    %swap3A_118 = vector.shape_cast %add3A_115 : vector<16xi32> to vector<16xi32>
    tpu.vector_store %arg6[%swap3A], %swap3A_118 {strides = array<i32>} : memref<512xi32, #tpu.memory_space<vmem>>, vector<16xi32>,
    %add3A_119 = arith.constant 0 : i32
    %add3A_120 = arith.addi %select_n3A_32, %add3A_119 : i32
    %add3A_121 = arith.constant 16 : i32
    %add3A_122 = arith.addi %add3A_120, %add3A_121 : i32
    %get3A_123 = arith.constant 16 : index
    %get3A_124 = tpu.vector_load %arg5[%get3A_123] {strides = array<i32>} : memref<512xi32, #tpu.memory_space<vmem>>, vector<16xi32>,
    %get3A_125 = vector.shape_cast %get3A_124 : vector<16xi32> to vector<16xi32>
    %mul3A_126 = arith.constant 8192 : i32
    %mul3A_127 = arith.muli %select_n3A, %mul3A_126 : i32
    %add3A_128 = vector.broadcast %mul3A_127 : i32 to vector<16xi32>
    %add3A_129 = arith.addi %get3A_125, %add3A_128 : vector<16xi32>
    %shift_right_arithmetic3A_130 = arith.constant 3 : i32
    %shift_right_arithmetic3A_131 = vector.broadcast %shift_right_arithmetic3A_130 : i32 to vector<16xi32>
    %shift_right_arithmetic3A_132 = arith.shrsi %add3A_129, %shift_right_arithmetic3A_131 : vector<16xi32>
    %mul3A_133 = arith.constant 32768 : i32
    %mul3A_134 = vector.broadcast %mul3A_133 : i32 to vector<16xi32>
    %mul3A_135 = arith.muli %shift_right_arithmetic3A_132, %mul3A_134 : vector<16xi32>
    %and3A_136 = arith.constant 7 : i32
    %and3A_137 = vector.broadcast %and3A_136 : i32 to vector<16xi32>
    %and3A_138 = arith.andi %add3A_129, %and3A_137 : vector<16xi32>
    %mul3A_139 = arith.constant 128 : i32
    %mul3A_140 = vector.broadcast %mul3A_139 : i32 to vector<16xi32>
    %mul3A_141 = arith.muli %and3A_138, %mul3A_140 : vector<16xi32>
    %add3A_142 = arith.addi %mul3A_135, %mul3A_141 : vector<16xi32>
    %shift_right_arithmetic3A_143 = arith.constant 7 : i32
    %shift_right_arithmetic3A_144 = arith.shrsi %add3A_122, %shift_right_arithmetic3A_143 : i32
    %mul3A_145 = arith.constant 1024 : i32
    %mul3A_146 = arith.muli %shift_right_arithmetic3A_144, %mul3A_145 : i32
    %and3A_147 = arith.constant 127 : i32
    %and3A_148 = arith.andi %add3A_122, %and3A_147 : i32
    %add3A_149 = arith.addi %mul3A_146, %and3A_148 : i32
    %add3A_150 = vector.broadcast %add3A_149 : i32 to vector<16xi32>
    %add3A_151 = arith.addi %add3A_142, %add3A_150 : vector<16xi32>
    %add3A_152 = arith.addi %add3A_151, %iota3A : vector<16xi32>
    %swap3A_153 = arith.constant 16 : index
    %swap3A_154 = tpu.vector_load %arg6[%swap3A_153] {strides = array<i32>} : memref<512xi32, #tpu.memory_space<vmem>>, vector<16xi32>,
    %swap3A_155 = vector.shape_cast %swap3A_154 : vector<16xi32> to vector<16xi32>
    %swap3A_156 = vector.shape_cast %add3A_152 : vector<16xi32> to vector<16xi32>
    tpu.vector_store %arg6[%swap3A_153], %swap3A_156 {strides = array<i32>} : memref<512xi32, #tpu.memory_space<vmem>>, vector<16xi32>,
    %add3A_157 = arith.constant 0 : i32
    %add3A_158 = arith.addi %select_n3A_32, %add3A_157 : i32
    %add3A_159 = arith.constant 32 : i32
    %add3A_160 = arith.addi %add3A_158, %add3A_159 : i32
    %get3A_161 = arith.constant 32 : index
    %get3A_162 = tpu.vector_load %arg5[%get3A_161] {strides = array<i32>} : memref<512xi32, #tpu.memory_space<vmem>>, vector<16xi32>,
    %get3A_163 = vector.shape_cast %get3A_162 : vector<16xi32> to vector<16xi32>
    %mul3A_164 = arith.constant 8192 : i32
    %mul3A_165 = arith.muli %select_n3A, %mul3A_164 : i32
    %add3A_166 = vector.broadcast %mul3A_165 : i32 to vector<16xi32>
    %add3A_167 = arith.addi %get3A_163, %add3A_166 : vector<16xi32>
    %shift_right_arithmetic3A_168 = arith.constant 3 : i32
    %shift_right_arithmetic3A_169 = vector.broadcast %shift_right_arithmetic3A_168 : i32 to vector<16xi32>
    %shift_right_arithmetic3A_170 = arith.shrsi %add3A_167, %shift_right_arithmetic3A_169 : vector<16xi32>
    %mul3A_171 = arith.constant 32768 : i32
    %mul3A_172 = vector.broadcast %mul3A_171 : i32 to vector<16xi32>
    %mul3A_173 = arith.muli %shift_right_arithmetic3A_170, %mul3A_172 : vector<16xi32>
    %and3A_174 = arith.constant 7 : i32
    %and3A_175 = vector.broadcast %and3A_174 : i32 to vector<16xi32>
    %and3A_176 = arith.andi %add3A_167, %and3A_175 : vector<16xi32>
    %mul3A_177 = arith.constant 128 : i32
    %mul3A_178 = vector.broadcast %mul3A_177 : i32 to vector<16xi32>
    %mul3A_179 = arith.muli %and3A_176, %mul3A_178 : vector<16xi32>
    %add3A_180 = arith.addi %mul3A_173, %mul3A_179 : vector<16xi32>
    %shift_right_arithmetic3A_181 = arith.constant 7 : i32
    %shift_right_arithmetic3A_182 = arith.shrsi %add3A_160, %shift_right_arithmetic3A_181 : i32
    %mul3A_183 = arith.constant 1024 : i32
    %mul3A_184 = arith.muli %shift_right_arithmetic3A_182, %mul3A_183 : i32
    %and3A_185 = arith.constant 127 : i32
    %and3A_186 = arith.andi %add3A_160, %and3A_185 : i32
    %add3A_187 = arith.addi %mul3A_184, %and3A_186 : i32
    %add3A_188 = vector.broadcast %add3A_187 : i32 to vector<16xi32>
    %add3A_189 = arith.addi %add3A_180, %add3A_188 : vector<16xi32>
    %add3A_190 = arith.addi %add3A_189, %iota3A : vector<16xi32>
    %swap3A_191 = arith.constant 32 : index
    %swap3A_192 = tpu.vector_load %arg6[%swap3A_191] {strides = array<i32>} : memref<512xi32, #tpu.memory_space<vmem>>, vector<16xi32>,
    %swap3A_193 = vector.shape_cast %swap3A_192 : vector<16xi32> to vector<16xi32>
    %swap3A_194 = vector.shape_cast %add3A_190 : vector<16xi32> to vector<16xi32>
    tpu.vector_store %arg6[%swap3A_191], %swap3A_194 {strides = array<i32>} : memref<512xi32, #tpu.memory_space<vmem>>, vector<16xi32>,
    %add3A_195 = arith.constant 0 : i32
    %add3A_196 = arith.addi %select_n3A_32, %add3A_195 : i32
    %add3A_197 = arith.constant 48 : i32
    %add3A_198 = arith.addi %add3A_196, %add3A_197 : i32
    %get3A_199 = arith.constant 48 : index
    %get3A_200 = tpu.vector_load %arg5[%get3A_199] {strides = array<i32>} : memref<512xi32, #tpu.memory_space<vmem>>, vector<16xi32>,
    %get3A_201 = vector.shape_cast %get3A_200 : vector<16xi32> to vector<16xi32>
    %mul3A_202 = arith.constant 8192 : i32
    %mul3A_203 = arith.muli %select_n3A, %mul3A_202 : i32
    %add3A_204 = vector.broadcast %mul3A_203 : i32 to vector<16xi32>
    %add3A_205 = arith.addi %get3A_201, %add3A_204 : vector<16xi32>
    %shift_right_arithmetic3A_206 = arith.constant 3 : i32
    %shift_right_arithmetic3A_207 = vector.broadcast %shift_right_arithmetic3A_206 : i32 to vector<16xi32>
    %shift_right_arithmetic3A_208 = arith.shrsi %add3A_205, %shift_right_arithmetic3A_207 : vector<16xi32>
    %mul3A_209 = arith.constant 32768 : i32
    %mul3A_210 = vector.broadcast %mul3A_209 : i32 to vector<16xi32>
    %mul3A_211 = arith.muli %shift_right_arithmetic3A_208, %mul3A_210 : vector<16xi32>
    %and3A_212 = arith.constant 7 : i32
    %and3A_213 = vector.broadcast %and3A_212 : i32 to vector<16xi32>
    %and3A_214 = arith.andi %add3A_205, %and3A_213 : vector<16xi32>
    %mul3A_215 = arith.constant 128 : i32
    %mul3A_216 = vector.broadcast %mul3A_215 : i32 to vector<16xi32>
    %mul3A_217 = arith.muli %and3A_214, %mul3A_216 : vector<16xi32>
    %add3A_218 = arith.addi %mul3A_211, %mul3A_217 : vector<16xi32>
    %shift_right_arithmetic3A_219 = arith.constant 7 : i32
    %shift_right_arithmetic3A_220 = arith.shrsi %add3A_198, %shift_right_arithmetic3A_219 : i32
    %mul3A_221 = arith.constant 1024 : i32
    %mul3A_222 = arith.muli %shift_right_arithmetic3A_220, %mul3A_221 : i32
    %and3A_223 = arith.constant 127 : i32
    %and3A_224 = arith.andi %add3A_198, %and3A_223 : i32
    %add3A_225 = arith.addi %mul3A_222, %and3A_224 : i32
    %add3A_226 = vector.broadcast %add3A_225 : i32 to vector<16xi32>
    %add3A_227 = arith.addi %add3A_218, %add3A_226 : vector<16xi32>
    %add3A_228 = arith.addi %add3A_227, %iota3A : vector<16xi32>
    %swap3A_229 = arith.constant 48 : index
    %swap3A_230 = tpu.vector_load %arg6[%swap3A_229] {strides = array<i32>} : memref<512xi32, #tpu.memory_space<vmem>>, vector<16xi32>,
    %swap3A_231 = vector.shape_cast %swap3A_230 : vector<16xi32> to vector<16xi32>
    %swap3A_232 = vector.shape_cast %add3A_228 : vector<16xi32> to vector<16xi32>
    tpu.vector_store %arg6[%swap3A_229], %swap3A_232 {strides = array<i32>} : memref<512xi32, #tpu.memory_space<vmem>>, vector<16xi32>,
    %add3A_233 = arith.constant 0 : i32
    %add3A_234 = arith.addi %select_n3A_32, %add3A_233 : i32
    %add3A_235 = arith.constant 64 : i32
    %add3A_236 = arith.addi %add3A_234, %add3A_235 : i32
    %get3A_237 = arith.constant 64 : index
    %get3A_238 = tpu.vector_load %arg5[%get3A_237] {strides = array<i32>} : memref<512xi32, #tpu.memory_space<vmem>>, vector<16xi32>,
    %get3A_239 = vector.shape_cast %get3A_238 : vector<16xi32> to vector<16xi32>
    %mul3A_240 = arith.constant 8192 : i32
    %mul3A_241 = arith.muli %select_n3A, %mul3A_240 : i32
    %add3A_242 = vector.broadcast %mul3A_241 : i32 to vector<16xi32>
    %add3A_243 = arith.addi %get3A_239, %add3A_242 : vector<16xi32>
    %shift_right_arithmetic3A_244 = arith.constant 3 : i32
    %shift_right_arithmetic3A_245 = vector.broadcast %shift_right_arithmetic3A_244 : i32 to vector<16xi32>
    %shift_right_arithmetic3A_246 = arith.shrsi %add3A_243, %shift_right_arithmetic3A_245 : vector<16xi32>
    %mul3A_247 = arith.constant 32768 : i32
    %mul3A_248 = vector.broadcast %mul3A_247 : i32 to vector<16xi32>
    %mul3A_249 = arith.muli %shift_right_arithmetic3A_246, %mul3A_248 : vector<16xi32>
    %and3A_250 = arith.constant 7 : i32
    %and3A_251 = vector.broadcast %and3A_250 : i32 to vector<16xi32>
    %and3A_252 = arith.andi %add3A_243, %and3A_251 : vector<16xi32>
    %mul3A_253 = arith.constant 128 : i32
    %mul3A_254 = vector.broadcast %mul3A_253 : i32 to vector<16xi32>
    %mul3A_255 = arith.muli %and3A_252, %mul3A_254 : vector<16xi32>
    %add3A_256 = arith.addi %mul3A_249, %mul3A_255 : vector<16xi32>
    %shift_right_arithmetic3A_257 = arith.constant 7 : i32
    %shift_right_arithmetic3A_258 = arith.shrsi %add3A_236, %shift_right_arithmetic3A_257 : i32
    %mul3A_259 = arith.constant 1024 : i32
    %mul3A_260 = arith.muli %shift_right_arithmetic3A_258, %mul3A_259 : i32
    %and3A_261 = arith.constant 127 : i32
    %and3A_262 = arith.andi %add3A_236, %and3A_261 : i32
    %add3A_263 = arith.addi %mul3A_260, %and3A_262 : i32
    %add3A_264 = vector.broadcast %add3A_263 : i32 to vector<16xi32>
    %add3A_265 = arith.addi %add3A_256, %add3A_264 : vector<16xi32>
    %add3A_266 = arith.addi %add3A_265, %iota3A : vector<16xi32>
    %swap3A_267 = arith.constant 64 : index
    %swap3A_268 = tpu.vector_load %arg6[%swap3A_267] {strides = array<i32>} : memref<512xi32, #tpu.memory_space<vmem>>, vector<16xi32>,
    %swap3A_269 = vector.shape_cast %swap3A_268 : vector<16xi32> to vector<16xi32>
    %swap3A_270 = vector.shape_cast %add3A_266 : vector<16xi32> to vector<16xi32>
    tpu.vector_store %arg6[%swap3A_267], %swap3A_270 {strides = array<i32>} : memref<512xi32, #tpu.memory_space<vmem>>, vector<16xi32>,
    %add3A_271 = arith.constant 0 : i32
    %add3A_272 = arith.addi %select_n3A_32, %add3A_271 : i32
    %add3A_273 = arith.constant 80 : i32
    %add3A_274 = arith.addi %add3A_272, %add3A_273 : i32
    %get3A_275 = arith.constant 80 : index
    %get3A_276 = tpu.vector_load %arg5[%get3A_275] {strides = array<i32>} : memref<512xi32, #tpu.memory_space<vmem>>, vector<16xi32>,
    %get3A_277 = vector.shape_cast %get3A_276 : vector<16xi32> to vector<16xi32>
    %mul3A_278 = arith.constant 8192 : i32
    %mul3A_279 = arith.muli %select_n3A, %mul3A_278 : i32
    %add3A_280 = vector.broadcast %mul3A_279 : i32 to vector<16xi32>
    %add3A_281 = arith.addi %get3A_277, %add3A_280 : vector<16xi32>
    %shift_right_arithmetic3A_282 = arith.constant 3 : i32
    %shift_right_arithmetic3A_283 = vector.broadcast %shift_right_arithmetic3A_282 : i32 to vector<16xi32>
    %shift_right_arithmetic3A_284 = arith.shrsi %add3A_281, %shift_right_arithmetic3A_283 : vector<16xi32>
    %mul3A_285 = arith.constant 32768 : i32
    %mul3A_286 = vector.broadcast %mul3A_285 : i32 to vector<16xi32>
    %mul3A_287 = arith.muli %shift_right_arithmetic3A_284, %mul3A_286 : vector<16xi32>
    %and3A_288 = arith.constant 7 : i32
    %and3A_289 = vector.broadcast %and3A_288 : i32 to vector<16xi32>
    %and3A_290 = arith.andi %add3A_281, %and3A_289 : vector<16xi32>
    %mul3A_291 = arith.constant 128 : i32
    %mul3A_292 = vector.broadcast %mul3A_291 : i32 to vector<16xi32>
    %mul3A_293 = arith.muli %and3A_290, %mul3A_292 : vector<16xi32>
    %add3A_294 = arith.addi %mul3A_287, %mul3A_293 : vector<16xi32>
    %shift_right_arithmetic3A_295 = arith.constant 7 : i32
    %shift_right_arithmetic3A_296 = arith.shrsi %add3A_274, %shift_right_arithmetic3A_295 : i32
    %mul3A_297 = arith.constant 1024 : i32
    %mul3A_298 = arith.muli %shift_right_arithmetic3A_296, %mul3A_297 : i32
    %and3A_299 = arith.constant 127 : i32
    %and3A_300 = arith.andi %add3A_274, %and3A_299 : i32
    %add3A_301 = arith.addi %mul3A_298, %and3A_300 : i32
    %add3A_302 = vector.broadcast %add3A_301 : i32 to vector<16xi32>
    %add3A_303 = arith.addi %add3A_294, %add3A_302 : vector<16xi32>
    %add3A_304 = arith.addi %add3A_303, %iota3A : vector<16xi32>
    %swap3A_305 = arith.constant 80 : index
    %swap3A_306 = tpu.vector_load %arg6[%swap3A_305] {strides = array<i32>} : memref<512xi32, #tpu.memory_space<vmem>>, vector<16xi32>,
    %swap3A_307 = vector.shape_cast %swap3A_306 : vector<16xi32> to vector<16xi32>
    %swap3A_308 = vector.shape_cast %add3A_304 : vector<16xi32> to vector<16xi32>
    tpu.vector_store %arg6[%swap3A_305], %swap3A_308 {strides = array<i32>} : memref<512xi32, #tpu.memory_space<vmem>>, vector<16xi32>,
    %add3A_309 = arith.constant 0 : i32
    %add3A_310 = arith.addi %select_n3A_32, %add3A_309 : i32
    %add3A_311 = arith.constant 96 : i32
    %add3A_312 = arith.addi %add3A_310, %add3A_311 : i32
    %get3A_313 = arith.constant 96 : index
    %get3A_314 = tpu.vector_load %arg5[%get3A_313] {strides = array<i32>} : memref<512xi32, #tpu.memory_space<vmem>>, vector<16xi32>,
    %get3A_315 = vector.shape_cast %get3A_314 : vector<16xi32> to vector<16xi32>
    %mul3A_316 = arith.constant 8192 : i32
    %mul3A_317 = arith.muli %select_n3A, %mul3A_316 : i32
    %add3A_318 = vector.broadcast %mul3A_317 : i32 to vector<16xi32>
    %add3A_319 = arith.addi %get3A_315, %add3A_318 : vector<16xi32>
    %shift_right_arithmetic3A_320 = arith.constant 3 : i32
    %shift_right_arithmetic3A_321 = vector.broadcast %shift_right_arithmetic3A_320 : i32 to vector<16xi32>
    %shift_right_arithmetic3A_322 = arith.shrsi %add3A_319, %shift_right_arithmetic3A_321 : vector<16xi32>
    %mul3A_323 = arith.constant 32768 : i32
    %mul3A_324 = vector.broadcast %mul3A_323 : i32 to vector<16xi32>
    %mul3A_325 = arith.muli %shift_right_arithmetic3A_322, %mul3A_324 : vector<16xi32>
    %and3A_326 = arith.constant 7 : i32
    %and3A_327 = vector.broadcast %and3A_326 : i32 to vector<16xi32>
    %and3A_328 = arith.andi %add3A_319, %and3A_327 : vector<16xi32>
    %mul3A_329 = arith.constant 128 : i32
    %mul3A_330 = vector.broadcast %mul3A_329 : i32 to vector<16xi32>
    %mul3A_331 = arith.muli %and3A_328, %mul3A_330 : vector<16xi32>
    %add3A_332 = arith.addi %mul3A_325, %mul3A_331 : vector<16xi32>
    %shift_right_arithmetic3A_333 = arith.constant 7 : i32
    %shift_right_arithmetic3A_334 = arith.shrsi %add3A_312, %shift_right_arithmetic3A_333 : i32
    %mul3A_335 = arith.constant 1024 : i32
    %mul3A_336 = arith.muli %shift_right_arithmetic3A_334, %mul3A_335 : i32
    %and3A_337 = arith.constant 127 : i32
    %and3A_338 = arith.andi %add3A_312, %and3A_337 : i32
    %add3A_339 = arith.addi %mul3A_336, %and3A_338 : i32
    %add3A_340 = vector.broadcast %add3A_339 : i32 to vector<16xi32>
    %add3A_341 = arith.addi %add3A_332, %add3A_340 : vector<16xi32>
    %add3A_342 = arith.addi %add3A_341, %iota3A : vector<16xi32>
    %swap3A_343 = arith.constant 96 : index
    %swap3A_344 = tpu.vector_load %arg6[%swap3A_343] {strides = array<i32>} : memref<512xi32, #tpu.memory_space<vmem>>, vector<16xi32>,
    %swap3A_345 = vector.shape_cast %swap3A_344 : vector<16xi32> to vector<16xi32>
    %swap3A_346 = vector.shape_cast %add3A_342 : vector<16xi32> to vector<16xi32>
    tpu.vector_store %arg6[%swap3A_343], %swap3A_346 {strides = array<i32>} : memref<512xi32, #tpu.memory_space<vmem>>, vector<16xi32>,
    %add3A_347 = arith.constant 0 : i32
    %add3A_348 = arith.addi %select_n3A_32, %add3A_347 : i32
    %add3A_349 = arith.constant 112 : i32
    %add3A_350 = arith.addi %add3A_348, %add3A_349 : i32
    %get3A_351 = arith.constant 112 : index
    %get3A_352 = tpu.vector_load %arg5[%get3A_351] {strides = array<i32>} : memref<512xi32, #tpu.memory_space<vmem>>, vector<16xi32>,
    %get3A_353 = vector.shape_cast %get3A_352 : vector<16xi32> to vector<16xi32>
    %mul3A_354 = arith.constant 8192 : i32
    %mul3A_355 = arith.muli %select_n3A, %mul3A_354 : i32
    %add3A_356 = vector.broadcast %mul3A_355 : i32 to vector<16xi32>
    %add3A_357 = arith.addi %get3A_353, %add3A_356 : vector<16xi32>
    %shift_right_arithmetic3A_358 = arith.constant 3 : i32
    %shift_right_arithmetic3A_359 = vector.broadcast %shift_right_arithmetic3A_358 : i32 to vector<16xi32>
    %shift_right_arithmetic3A_360 = arith.shrsi %add3A_357, %shift_right_arithmetic3A_359 : vector<16xi32>
    %mul3A_361 = arith.constant 32768 : i32
    %mul3A_362 = vector.broadcast %mul3A_361 : i32 to vector<16xi32>
    %mul3A_363 = arith.muli %shift_right_arithmetic3A_360, %mul3A_362 : vector<16xi32>
    %and3A_364 = arith.constant 7 : i32
    %and3A_365 = vector.broadcast %and3A_364 : i32 to vector<16xi32>
    %and3A_366 = arith.andi %add3A_357, %and3A_365 : vector<16xi32>
    %mul3A_367 = arith.constant 128 : i32
    %mul3A_368 = vector.broadcast %mul3A_367 : i32 to vector<16xi32>
    %mul3A_369 = arith.muli %and3A_366, %mul3A_368 : vector<16xi32>
    %add3A_370 = arith.addi %mul3A_363, %mul3A_369 : vector<16xi32>
    %shift_right_arithmetic3A_371 = arith.constant 7 : i32
    %shift_right_arithmetic3A_372 = arith.shrsi %add3A_350, %shift_right_arithmetic3A_371 : i32
    %mul3A_373 = arith.constant 1024 : i32
    %mul3A_374 = arith.muli %shift_right_arithmetic3A_372, %mul3A_373 : i32
    %and3A_375 = arith.constant 127 : i32
    %and3A_376 = arith.andi %add3A_350, %and3A_375 : i32
    %add3A_377 = arith.addi %mul3A_374, %and3A_376 : i32
    %add3A_378 = vector.broadcast %add3A_377 : i32 to vector<16xi32>
    %add3A_379 = arith.addi %add3A_370, %add3A_378 : vector<16xi32>
    %add3A_380 = arith.addi %add3A_379, %iota3A : vector<16xi32>
    %swap3A_381 = arith.constant 112 : index
    %swap3A_382 = tpu.vector_load %arg6[%swap3A_381] {strides = array<i32>} : memref<512xi32, #tpu.memory_space<vmem>>, vector<16xi32>,
    %swap3A_383 = vector.shape_cast %swap3A_382 : vector<16xi32> to vector<16xi32>
    %swap3A_384 = vector.shape_cast %add3A_380 : vector<16xi32> to vector<16xi32>
    tpu.vector_store %arg6[%swap3A_381], %swap3A_384 {strides = array<i32>} : memref<512xi32, #tpu.memory_space<vmem>>, vector<16xi32>,
    %dma_start3A_385 = arith.constant 0 : i32
    %dma_start3A_386 = tpu.memref_slice %arg7[%dma_start3A_385] : memref<512xf32, #tpu.memory_space<vmem>> -> memref<128xf32, #tpu.memory_space<vmem>>
    %dma_start3A_387 = arith.constant 0 : i32
    %dma_start3A_388 = tpu.memref_slice %arg6[%dma_start3A_387] : memref<512xi32, #tpu.memory_space<vmem>> -> memref<128xi32, #tpu.memory_space<vmem>>
    %dma_start3A_389 = arith.constant 0 : i32
    %dma_start3A_390 = tpu.memref_slice %arg2[%dma_start3A_389] : memref<134217728xf32, #tpu.memory_space<hbm>> -> memref<134217728xf32, #tpu.memory_space<hbm>>
    tpu.enqueue_indirect_dma source(%dma_start3A_390 : memref<134217728xf32, #tpu.memory_space<hbm>>) target(%dma_start3A_386 : memref<128xf32, #tpu.memory_space<vmem>>) offsets(%dma_start3A_388 : memref<128xi32, #tpu.memory_space<vmem>>) semaphore(%arg9 : memref<!tpu.dma_semaphore, #tpu.memory_space<semaphore_mem>>)
    %dma_wait3A_391 = arith.constant 0 : i32
    %dma_wait3A_392 = arith.constant 128 : i32
    %dma_wait3A_393 = tpu.memref_slice %arg5[%dma_wait3A_392] : memref<512xi32, #tpu.memory_space<vmem>> -> memref<128xi32, #tpu.memory_space<vmem>>
    %dma_wait3A_394 = tpu.memref_slice %arg3[%select_n3A, %dma_wait3A_391, %add3A_44] : memref<4x1x4096xi32, #tpu.memory_space<hbm>> -> memref<1x1x128xi32, #tpu.memory_space<hbm>>
    %dma_wait3A_395 = tpu.memref_squeeze %dma_wait3A_394 : memref<1x1x128xi32, #tpu.memory_space<hbm>> -> memref<128xi32, #tpu.memory_space<hbm>>
    %dma_wait3A_396 = arith.constant 128 : i32
    %dma_wait3A_397 = tpu.memref_slice %arg5[%dma_wait3A_396] : memref<512xi32, #tpu.memory_space<vmem>> -> memref<128xi32, #tpu.memory_space<vmem>>
    %dma_wait3A_398 = tpu.memref_slice %arg3[%select_n3A, %dma_wait3A_391, %add3A_44] : memref<4x1x4096xi32, #tpu.memory_space<hbm>> -> memref<1x1x128xi32, #tpu.memory_space<hbm>>
    %dma_wait3A_399 = tpu.memref_squeeze %dma_wait3A_398 : memref<1x1x128xi32, #tpu.memory_space<hbm>> -> memref<128xi32, #tpu.memory_space<hbm>>
    tpu.wait_dma2 semaphore(%arg8 : memref<!tpu.dma_semaphore, #tpu.memory_space<semaphore_mem>>) src(%dma_wait3A_399 : memref<128xi32, #tpu.memory_space<hbm>>) dst(%dma_wait3A_397 : memref<128xi32, #tpu.memory_space<vmem>>)
    %add3A_400 = arith.constant 128 : i32
    %add3A_401 = arith.addi %select_n3A_32, %add3A_400 : i32
    %add3A_402 = arith.constant 0 : i32
    %add3A_403 = arith.addi %add3A_401, %add3A_402 : i32
    %get3A_404 = arith.constant 128 : index
    %get3A_405 = tpu.vector_load %arg5[%get3A_404] {strides = array<i32>} : memref<512xi32, #tpu.memory_space<vmem>>, vector<16xi32>,
    %get3A_406 = vector.shape_cast %get3A_405 : vector<16xi32> to vector<16xi32>
    %mul3A_407 = arith.constant 8192 : i32
    %mul3A_408 = arith.muli %select_n3A, %mul3A_407 : i32
    %add3A_409 = vector.broadcast %mul3A_408 : i32 to vector<16xi32>
    %add3A_410 = arith.addi %get3A_406, %add3A_409 : vector<16xi32>
    %shift_right_arithmetic3A_411 = arith.constant 3 : i32
    %shift_right_arithmetic3A_412 = vector.broadcast %shift_right_arithmetic3A_411 : i32 to vector<16xi32>
    %shift_right_arithmetic3A_413 = arith.shrsi %add3A_410, %shift_right_arithmetic3A_412 : vector<16xi32>
    %mul3A_414 = arith.constant 32768 : i32
    %mul3A_415 = vector.broadcast %mul3A_414 : i32 to vector<16xi32>
    %mul3A_416 = arith.muli %shift_right_arithmetic3A_413, %mul3A_415 : vector<16xi32>
    %and3A_417 = arith.constant 7 : i32
    %and3A_418 = vector.broadcast %and3A_417 : i32 to vector<16xi32>
    %and3A_419 = arith.andi %add3A_410, %and3A_418 : vector<16xi32>
    %mul3A_420 = arith.constant 128 : i32
    %mul3A_421 = vector.broadcast %mul3A_420 : i32 to vector<16xi32>
    %mul3A_422 = arith.muli %and3A_419, %mul3A_421 : vector<16xi32>
    %add3A_423 = arith.addi %mul3A_416, %mul3A_422 : vector<16xi32>
    %shift_right_arithmetic3A_424 = arith.constant 7 : i32
    %shift_right_arithmetic3A_425 = arith.shrsi %add3A_403, %shift_right_arithmetic3A_424 : i32
    %mul3A_426 = arith.constant 1024 : i32
    %mul3A_427 = arith.muli %shift_right_arithmetic3A_425, %mul3A_426 : i32
    %and3A_428 = arith.constant 127 : i32
    %and3A_429 = arith.andi %add3A_403, %and3A_428 : i32
    %add3A_430 = arith.addi %mul3A_427, %and3A_429 : i32
    %add3A_431 = vector.broadcast %add3A_430 : i32 to vector<16xi32>
    %add3A_432 = arith.addi %add3A_423, %add3A_431 : vector<16xi32>
    %add3A_433 = arith.addi %add3A_432, %iota3A : vector<16xi32>
    %swap3A_434 = arith.constant 128 : index
    %swap3A_435 = tpu.vector_load %arg6[%swap3A_434] {strides = array<i32>} : memref<512xi32, #tpu.memory_space<vmem>>, vector<16xi32>,
    %swap3A_436 = vector.shape_cast %swap3A_435 : vector<16xi32> to vector<16xi32>
    %swap3A_437 = vector.shape_cast %add3A_433 : vector<16xi32> to vector<16xi32>
    tpu.vector_store %arg6[%swap3A_434], %swap3A_437 {strides = array<i32>} : memref<512xi32, #tpu.memory_space<vmem>>, vector<16xi32>,
    %add3A_438 = arith.constant 128 : i32
    %add3A_439 = arith.addi %select_n3A_32, %add3A_438 : i32
    %add3A_440 = arith.constant 16 : i32
    %add3A_441 = arith.addi %add3A_439, %add3A_440 : i32
    %get3A_442 = arith.constant 144 : index
    %get3A_443 = tpu.vector_load %arg5[%get3A_442] {strides = array<i32>} : memref<512xi32, #tpu.memory_space<vmem>>, vector<16xi32>,
    %get3A_444 = vector.shape_cast %get3A_443 : vector<16xi32> to vector<16xi32>
    %mul3A_445 = arith.constant 8192 : i32
    %mul3A_446 = arith.muli %select_n3A, %mul3A_445 : i32
    %add3A_447 = vector.broadcast %mul3A_446 : i32 to vector<16xi32>
    %add3A_448 = arith.addi %get3A_444, %add3A_447 : vector<16xi32>
    %shift_right_arithmetic3A_449 = arith.constant 3 : i32
    %shift_right_arithmetic3A_450 = vector.broadcast %shift_right_arithmetic3A_449 : i32 to vector<16xi32>
    %shift_right_arithmetic3A_451 = arith.shrsi %add3A_448, %shift_right_arithmetic3A_450 : vector<16xi32>
    %mul3A_452 = arith.constant 32768 : i32
    %mul3A_453 = vector.broadcast %mul3A_452 : i32 to vector<16xi32>
    %mul3A_454 = arith.muli %shift_right_arithmetic3A_451, %mul3A_453 : vector<16xi32>
    %and3A_455 = arith.constant 7 : i32
    %and3A_456 = vector.broadcast %and3A_455 : i32 to vector<16xi32>
    %and3A_457 = arith.andi %add3A_448, %and3A_456 : vector<16xi32>
    %mul3A_458 = arith.constant 128 : i32
    %mul3A_459 = vector.broadcast %mul3A_458 : i32 to vector<16xi32>
    %mul3A_460 = arith.muli %and3A_457, %mul3A_459 : vector<16xi32>
    %add3A_461 = arith.addi %mul3A_454, %mul3A_460 : vector<16xi32>
    %shift_right_arithmetic3A_462 = arith.constant 7 : i32
    %shift_right_arithmetic3A_463 = arith.shrsi %add3A_441, %shift_right_arithmetic3A_462 : i32
    %mul3A_464 = arith.constant 1024 : i32
    %mul3A_465 = arith.muli %shift_right_arithmetic3A_463, %mul3A_464 : i32
    %and3A_466 = arith.constant 127 : i32
    %and3A_467 = arith.andi %add3A_441, %and3A_466 : i32
    %add3A_468 = arith.addi %mul3A_465, %and3A_467 : i32
    %add3A_469 = vector.broadcast %add3A_468 : i32 to vector<16xi32>
    %add3A_470 = arith.addi %add3A_461, %add3A_469 : vector<16xi32>
    %add3A_471 = arith.addi %add3A_470, %iota3A : vector<16xi32>
    %swap3A_472 = arith.constant 144 : index
    %swap3A_473 = tpu.vector_load %arg6[%swap3A_472] {strides = array<i32>} : memref<512xi32, #tpu.memory_space<vmem>>, vector<16xi32>,
    %swap3A_474 = vector.shape_cast %swap3A_473 : vector<16xi32> to vector<16xi32>
    %swap3A_475 = vector.shape_cast %add3A_471 : vector<16xi32> to vector<16xi32>
    tpu.vector_store %arg6[%swap3A_472], %swap3A_475 {strides = array<i32>} : memref<512xi32, #tpu.memory_space<vmem>>, vector<16xi32>,
    %add3A_476 = arith.constant 128 : i32
    %add3A_477 = arith.addi %select_n3A_32, %add3A_476 : i32
    %add3A_478 = arith.constant 32 : i32
    %add3A_479 = arith.addi %add3A_477, %add3A_478 : i32
    %get3A_480 = arith.constant 160 : index
    %get3A_481 = tpu.vector_load %arg5[%get3A_480] {strides = array<i32>} : memref<512xi32, #tpu.memory_space<vmem>>, vector<16xi32>,
    %get3A_482 = vector.shape_cast %get3A_481 : vector<16xi32> to vector<16xi32>
    %mul3A_483 = arith.constant 8192 : i32
    %mul3A_484 = arith.muli %select_n3A, %mul3A_483 : i32
    %add3A_485 = vector.broadcast %mul3A_484 : i32 to vector<16xi32>
    %add3A_486 = arith.addi %get3A_482, %add3A_485 : vector<16xi32>
    %shift_right_arithmetic3A_487 = arith.constant 3 : i32
    %shift_right_arithmetic3A_488 = vector.broadcast %shift_right_arithmetic3A_487 : i32 to vector<16xi32>
    %shift_right_arithmetic3A_489 = arith.shrsi %add3A_486, %shift_right_arithmetic3A_488 : vector<16xi32>
    %mul3A_490 = arith.constant 32768 : i32
    %mul3A_491 = vector.broadcast %mul3A_490 : i32 to vector<16xi32>
    %mul3A_492 = arith.muli %shift_right_arithmetic3A_489, %mul3A_491 : vector<16xi32>
    %and3A_493 = arith.constant 7 : i32
    %and3A_494 = vector.broadcast %and3A_493 : i32 to vector<16xi32>
    %and3A_495 = arith.andi %add3A_486, %and3A_494 : vector<16xi32>
    %mul3A_496 = arith.constant 128 : i32
    %mul3A_497 = vector.broadcast %mul3A_496 : i32 to vector<16xi32>
    %mul3A_498 = arith.muli %and3A_495, %mul3A_497 : vector<16xi32>
    %add3A_499 = arith.addi %mul3A_492, %mul3A_498 : vector<16xi32>
    %shift_right_arithmetic3A_500 = arith.constant 7 : i32
    %shift_right_arithmetic3A_501 = arith.shrsi %add3A_479, %shift_right_arithmetic3A_500 : i32
    %mul3A_502 = arith.constant 1024 : i32
    %mul3A_503 = arith.muli %shift_right_arithmetic3A_501, %mul3A_502 : i32
    %and3A_504 = arith.constant 127 : i32
    %and3A_505 = arith.andi %add3A_479, %and3A_504 : i32
    %add3A_506 = arith.addi %mul3A_503, %and3A_505 : i32
    %add3A_507 = vector.broadcast %add3A_506 : i32 to vector<16xi32>
    %add3A_508 = arith.addi %add3A_499, %add3A_507 : vector<16xi32>
    %add3A_509 = arith.addi %add3A_508, %iota3A : vector<16xi32>
    %swap3A_510 = arith.constant 160 : index
    %swap3A_511 = tpu.vector_load %arg6[%swap3A_510] {strides = array<i32>} : memref<512xi32, #tpu.memory_space<vmem>>, vector<16xi32>,
    %swap3A_512 = vector.shape_cast %swap3A_511 : vector<16xi32> to vector<16xi32>
    %swap3A_513 = vector.shape_cast %add3A_509 : vector<16xi32> to vector<16xi32>
    tpu.vector_store %arg6[%swap3A_510], %swap3A_513 {strides = array<i32>} : memref<512xi32, #tpu.memory_space<vmem>>, vector<16xi32>,
    %add3A_514 = arith.constant 128 : i32
    %add3A_515 = arith.addi %select_n3A_32, %add3A_514 : i32
    %add3A_516 = arith.constant 48 : i32
    %add3A_517 = arith.addi %add3A_515, %add3A_516 : i32
    %get3A_518 = arith.constant 176 : index
    %get3A_519 = tpu.vector_load %arg5[%get3A_518] {strides = array<i32>} : memref<512xi32, #tpu.memory_space<vmem>>, vector<16xi32>,
    %get3A_520 = vector.shape_cast %get3A_519 : vector<16xi32> to vector<16xi32>
    %mul3A_521 = arith.constant 8192 : i32
    %mul3A_522 = arith.muli %select_n3A, %mul3A_521 : i32
    %add3A_523 = vector.broadcast %mul3A_522 : i32 to vector<16xi32>
    %add3A_524 = arith.addi %get3A_520, %add3A_523 : vector<16xi32>
    %shift_right_arithmetic3A_525 = arith.constant 3 : i32
    %shift_right_arithmetic3A_526 = vector.broadcast %shift_right_arithmetic3A_525 : i32 to vector<16xi32>
    %shift_right_arithmetic3A_527 = arith.shrsi %add3A_524, %shift_right_arithmetic3A_526 : vector<16xi32>
    %mul3A_528 = arith.constant 32768 : i32
    %mul3A_529 = vector.broadcast %mul3A_528 : i32 to vector<16xi32>
    %mul3A_530 = arith.muli %shift_right_arithmetic3A_527, %mul3A_529 : vector<16xi32>
    %and3A_531 = arith.constant 7 : i32
    %and3A_532 = vector.broadcast %and3A_531 : i32 to vector<16xi32>
    %and3A_533 = arith.andi %add3A_524, %and3A_532 : vector<16xi32>
    %mul3A_534 = arith.constant 128 : i32
    %mul3A_535 = vector.broadcast %mul3A_534 : i32 to vector<16xi32>
    %mul3A_536 = arith.muli %and3A_533, %mul3A_535 : vector<16xi32>
    %add3A_537 = arith.addi %mul3A_530, %mul3A_536 : vector<16xi32>
    %shift_right_arithmetic3A_538 = arith.constant 7 : i32
    %shift_right_arithmetic3A_539 = arith.shrsi %add3A_517, %shift_right_arithmetic3A_538 : i32
    %mul3A_540 = arith.constant 1024 : i32
    %mul3A_541 = arith.muli %shift_right_arithmetic3A_539, %mul3A_540 : i32
    %and3A_542 = arith.constant 127 : i32
    %and3A_543 = arith.andi %add3A_517, %and3A_542 : i32
    %add3A_544 = arith.addi %mul3A_541, %and3A_543 : i32
    %add3A_545 = vector.broadcast %add3A_544 : i32 to vector<16xi32>
    %add3A_546 = arith.addi %add3A_537, %add3A_545 : vector<16xi32>
    %add3A_547 = arith.addi %add3A_546, %iota3A : vector<16xi32>
    %swap3A_548 = arith.constant 176 : index
    %swap3A_549 = tpu.vector_load %arg6[%swap3A_548] {strides = array<i32>} : memref<512xi32, #tpu.memory_space<vmem>>, vector<16xi32>,
    %swap3A_550 = vector.shape_cast %swap3A_549 : vector<16xi32> to vector<16xi32>
    %swap3A_551 = vector.shape_cast %add3A_547 : vector<16xi32> to vector<16xi32>
    tpu.vector_store %arg6[%swap3A_548], %swap3A_551 {strides = array<i32>} : memref<512xi32, #tpu.memory_space<vmem>>, vector<16xi32>,
    %add3A_552 = arith.constant 128 : i32
    %add3A_553 = arith.addi %select_n3A_32, %add3A_552 : i32
    %add3A_554 = arith.constant 64 : i32
    %add3A_555 = arith.addi %add3A_553, %add3A_554 : i32
    %get3A_556 = arith.constant 192 : index
    %get3A_557 = tpu.vector_load %arg5[%get3A_556] {strides = array<i32>} : memref<512xi32, #tpu.memory_space<vmem>>, vector<16xi32>,
    %get3A_558 = vector.shape_cast %get3A_557 : vector<16xi32> to vector<16xi32>
    %mul3A_559 = arith.constant 8192 : i32
    %mul3A_560 = arith.muli %select_n3A, %mul3A_559 : i32
    %add3A_561 = vector.broadcast %mul3A_560 : i32 to vector<16xi32>
    %add3A_562 = arith.addi %get3A_558, %add3A_561 : vector<16xi32>
    %shift_right_arithmetic3A_563 = arith.constant 3 : i32
    %shift_right_arithmetic3A_564 = vector.broadcast %shift_right_arithmetic3A_563 : i32 to vector<16xi32>
    %shift_right_arithmetic3A_565 = arith.shrsi %add3A_562, %shift_right_arithmetic3A_564 : vector<16xi32>
    %mul3A_566 = arith.constant 32768 : i32
    %mul3A_567 = vector.broadcast %mul3A_566 : i32 to vector<16xi32>
    %mul3A_568 = arith.muli %shift_right_arithmetic3A_565, %mul3A_567 : vector<16xi32>
    %and3A_569 = arith.constant 7 : i32
    %and3A_570 = vector.broadcast %and3A_569 : i32 to vector<16xi32>
    %and3A_571 = arith.andi %add3A_562, %and3A_570 : vector<16xi32>
    %mul3A_572 = arith.constant 128 : i32
    %mul3A_573 = vector.broadcast %mul3A_572 : i32 to vector<16xi32>
    %mul3A_574 = arith.muli %and3A_571, %mul3A_573 : vector<16xi32>
    %add3A_575 = arith.addi %mul3A_568, %mul3A_574 : vector<16xi32>
    %shift_right_arithmetic3A_576 = arith.constant 7 : i32
    %shift_right_arithmetic3A_577 = arith.shrsi %add3A_555, %shift_right_arithmetic3A_576 : i32
    %mul3A_578 = arith.constant 1024 : i32
    %mul3A_579 = arith.muli %shift_right_arithmetic3A_577, %mul3A_578 : i32
    %and3A_580 = arith.constant 127 : i32
    %and3A_581 = arith.andi %add3A_555, %and3A_580 : i32
    %add3A_582 = arith.addi %mul3A_579, %and3A_581 : i32
    %add3A_583 = vector.broadcast %add3A_582 : i32 to vector<16xi32>
    %add3A_584 = arith.addi %add3A_575, %add3A_583 : vector<16xi32>
    %add3A_585 = arith.addi %add3A_584, %iota3A : vector<16xi32>
    %swap3A_586 = arith.constant 192 : index
    %swap3A_587 = tpu.vector_load %arg6[%swap3A_586] {strides = array<i32>} : memref<512xi32, #tpu.memory_space<vmem>>, vector<16xi32>,
    %swap3A_588 = vector.shape_cast %swap3A_587 : vector<16xi32> to vector<16xi32>
    %swap3A_589 = vector.shape_cast %add3A_585 : vector<16xi32> to vector<16xi32>
    tpu.vector_store %arg6[%swap3A_586], %swap3A_589 {strides = array<i32>} : memref<512xi32, #tpu.memory_space<vmem>>, vector<16xi32>,
    %add3A_590 = arith.constant 128 : i32
    %add3A_591 = arith.addi %select_n3A_32, %add3A_590 : i32
    %add3A_592 = arith.constant 80 : i32
    %add3A_593 = arith.addi %add3A_591, %add3A_592 : i32
    %get3A_594 = arith.constant 208 : index
    %get3A_595 = tpu.vector_load %arg5[%get3A_594] {strides = array<i32>} : memref<512xi32, #tpu.memory_space<vmem>>, vector<16xi32>,
    %get3A_596 = vector.shape_cast %get3A_595 : vector<16xi32> to vector<16xi32>
    %mul3A_597 = arith.constant 8192 : i32
    %mul3A_598 = arith.muli %select_n3A, %mul3A_597 : i32
    %add3A_599 = vector.broadcast %mul3A_598 : i32 to vector<16xi32>
    %add3A_600 = arith.addi %get3A_596, %add3A_599 : vector<16xi32>
    %shift_right_arithmetic3A_601 = arith.constant 3 : i32
    %shift_right_arithmetic3A_602 = vector.broadcast %shift_right_arithmetic3A_601 : i32 to vector<16xi32>
    %shift_right_arithmetic3A_603 = arith.shrsi %add3A_600, %shift_right_arithmetic3A_602 : vector<16xi32>
    %mul3A_604 = arith.constant 32768 : i32
    %mul3A_605 = vector.broadcast %mul3A_604 : i32 to vector<16xi32>
    %mul3A_606 = arith.muli %shift_right_arithmetic3A_603, %mul3A_605 : vector<16xi32>
    %and3A_607 = arith.constant 7 : i32
    %and3A_608 = vector.broadcast %and3A_607 : i32 to vector<16xi32>
    %and3A_609 = arith.andi %add3A_600, %and3A_608 : vector<16xi32>
    %mul3A_610 = arith.constant 128 : i32
    %mul3A_611 = vector.broadcast %mul3A_610 : i32 to vector<16xi32>
    %mul3A_612 = arith.muli %and3A_609, %mul3A_611 : vector<16xi32>
    %add3A_613 = arith.addi %mul3A_606, %mul3A_612 : vector<16xi32>
    %shift_right_arithmetic3A_614 = arith.constant 7 : i32
    %shift_right_arithmetic3A_615 = arith.shrsi %add3A_593, %shift_right_arithmetic3A_614 : i32
    %mul3A_616 = arith.constant 1024 : i32
    %mul3A_617 = arith.muli %shift_right_arithmetic3A_615, %mul3A_616 : i32
    %and3A_618 = arith.constant 127 : i32
    %and3A_619 = arith.andi %add3A_593, %and3A_618 : i32
    %add3A_620 = arith.addi %mul3A_617, %and3A_619 : i32
    %add3A_621 = vector.broadcast %add3A_620 : i32 to vector<16xi32>
    %add3A_622 = arith.addi %add3A_613, %add3A_621 : vector<16xi32>
    %add3A_623 = arith.addi %add3A_622, %iota3A : vector<16xi32>
    %swap3A_624 = arith.constant 208 : index
    %swap3A_625 = tpu.vector_load %arg6[%swap3A_624] {strides = array<i32>} : memref<512xi32, #tpu.memory_space<vmem>>, vector<16xi32>,
    %swap3A_626 = vector.shape_cast %swap3A_625 : vector<16xi32> to vector<16xi32>
    %swap3A_627 = vector.shape_cast %add3A_623 : vector<16xi32> to vector<16xi32>
    tpu.vector_store %arg6[%swap3A_624], %swap3A_627 {strides = array<i32>} : memref<512xi32, #tpu.memory_space<vmem>>, vector<16xi32>,
    %add3A_628 = arith.constant 128 : i32
    %add3A_629 = arith.addi %select_n3A_32, %add3A_628 : i32
    %add3A_630 = arith.constant 96 : i32
    %add3A_631 = arith.addi %add3A_629, %add3A_630 : i32
    %get3A_632 = arith.constant 224 : index
    %get3A_633 = tpu.vector_load %arg5[%get3A_632] {strides = array<i32>} : memref<512xi32, #tpu.memory_space<vmem>>, vector<16xi32>,
    %get3A_634 = vector.shape_cast %get3A_633 : vector<16xi32> to vector<16xi32>
    %mul3A_635 = arith.constant 8192 : i32
    %mul3A_636 = arith.muli %select_n3A, %mul3A_635 : i32
    %add3A_637 = vector.broadcast %mul3A_636 : i32 to vector<16xi32>
    %add3A_638 = arith.addi %get3A_634, %add3A_637 : vector<16xi32>
    %shift_right_arithmetic3A_639 = arith.constant 3 : i32
    %shift_right_arithmetic3A_640 = vector.broadcast %shift_right_arithmetic3A_639 : i32 to vector<16xi32>
    %shift_right_arithmetic3A_641 = arith.shrsi %add3A_638, %shift_right_arithmetic3A_640 : vector<16xi32>
    %mul3A_642 = arith.constant 32768 : i32
    %mul3A_643 = vector.broadcast %mul3A_642 : i32 to vector<16xi32>
    %mul3A_644 = arith.muli %shift_right_arithmetic3A_641, %mul3A_643 : vector<16xi32>
    %and3A_645 = arith.constant 7 : i32
    %and3A_646 = vector.broadcast %and3A_645 : i32 to vector<16xi32>
    %and3A_647 = arith.andi %add3A_638, %and3A_646 : vector<16xi32>
    %mul3A_648 = arith.constant 128 : i32
    %mul3A_649 = vector.broadcast %mul3A_648 : i32 to vector<16xi32>
    %mul3A_650 = arith.muli %and3A_647, %mul3A_649 : vector<16xi32>
    %add3A_651 = arith.addi %mul3A_644, %mul3A_650 : vector<16xi32>
    %shift_right_arithmetic3A_652 = arith.constant 7 : i32
    %shift_right_arithmetic3A_653 = arith.shrsi %add3A_631, %shift_right_arithmetic3A_652 : i32
    %mul3A_654 = arith.constant 1024 : i32
    %mul3A_655 = arith.muli %shift_right_arithmetic3A_653, %mul3A_654 : i32
    %and3A_656 = arith.constant 127 : i32
    %and3A_657 = arith.andi %add3A_631, %and3A_656 : i32
    %add3A_658 = arith.addi %mul3A_655, %and3A_657 : i32
    %add3A_659 = vector.broadcast %add3A_658 : i32 to vector<16xi32>
    %add3A_660 = arith.addi %add3A_651, %add3A_659 : vector<16xi32>
    %add3A_661 = arith.addi %add3A_660, %iota3A : vector<16xi32>
    %swap3A_662 = arith.constant 224 : index
    %swap3A_663 = tpu.vector_load %arg6[%swap3A_662] {strides = array<i32>} : memref<512xi32, #tpu.memory_space<vmem>>, vector<16xi32>,
    %swap3A_664 = vector.shape_cast %swap3A_663 : vector<16xi32> to vector<16xi32>
    %swap3A_665 = vector.shape_cast %add3A_661 : vector<16xi32> to vector<16xi32>
    tpu.vector_store %arg6[%swap3A_662], %swap3A_665 {strides = array<i32>} : memref<512xi32, #tpu.memory_space<vmem>>, vector<16xi32>,
    %add3A_666 = arith.constant 128 : i32
    %add3A_667 = arith.addi %select_n3A_32, %add3A_666 : i32
    %add3A_668 = arith.constant 112 : i32
    %add3A_669 = arith.addi %add3A_667, %add3A_668 : i32
    %get3A_670 = arith.constant 240 : index
    %get3A_671 = tpu.vector_load %arg5[%get3A_670] {strides = array<i32>} : memref<512xi32, #tpu.memory_space<vmem>>, vector<16xi32>,
    %get3A_672 = vector.shape_cast %get3A_671 : vector<16xi32> to vector<16xi32>
    %mul3A_673 = arith.constant 8192 : i32
    %mul3A_674 = arith.muli %select_n3A, %mul3A_673 : i32
    %add3A_675 = vector.broadcast %mul3A_674 : i32 to vector<16xi32>
    %add3A_676 = arith.addi %get3A_672, %add3A_675 : vector<16xi32>
    %shift_right_arithmetic3A_677 = arith.constant 3 : i32
    %shift_right_arithmetic3A_678 = vector.broadcast %shift_right_arithmetic3A_677 : i32 to vector<16xi32>
    %shift_right_arithmetic3A_679 = arith.shrsi %add3A_676, %shift_right_arithmetic3A_678 : vector<16xi32>
    %mul3A_680 = arith.constant 32768 : i32
    %mul3A_681 = vector.broadcast %mul3A_680 : i32 to vector<16xi32>
    %mul3A_682 = arith.muli %shift_right_arithmetic3A_679, %mul3A_681 : vector<16xi32>
    %and3A_683 = arith.constant 7 : i32
    %and3A_684 = vector.broadcast %and3A_683 : i32 to vector<16xi32>
    %and3A_685 = arith.andi %add3A_676, %and3A_684 : vector<16xi32>
    %mul3A_686 = arith.constant 128 : i32
    %mul3A_687 = vector.broadcast %mul3A_686 : i32 to vector<16xi32>
    %mul3A_688 = arith.muli %and3A_685, %mul3A_687 : vector<16xi32>
    %add3A_689 = arith.addi %mul3A_682, %mul3A_688 : vector<16xi32>
    %shift_right_arithmetic3A_690 = arith.constant 7 : i32
    %shift_right_arithmetic3A_691 = arith.shrsi %add3A_669, %shift_right_arithmetic3A_690 : i32
    %mul3A_692 = arith.constant 1024 : i32
    %mul3A_693 = arith.muli %shift_right_arithmetic3A_691, %mul3A_692 : i32
    %and3A_694 = arith.constant 127 : i32
    %and3A_695 = arith.andi %add3A_669, %and3A_694 : i32
    %add3A_696 = arith.addi %mul3A_693, %and3A_695 : i32
    %add3A_697 = vector.broadcast %add3A_696 : i32 to vector<16xi32>
    %add3A_698 = arith.addi %add3A_689, %add3A_697 : vector<16xi32>
    %add3A_699 = arith.addi %add3A_698, %iota3A : vector<16xi32>
    %swap3A_700 = arith.constant 240 : index
    %swap3A_701 = tpu.vector_load %arg6[%swap3A_700] {strides = array<i32>} : memref<512xi32, #tpu.memory_space<vmem>>, vector<16xi32>,
    %swap3A_702 = vector.shape_cast %swap3A_701 : vector<16xi32> to vector<16xi32>
    %swap3A_703 = vector.shape_cast %add3A_699 : vector<16xi32> to vector<16xi32>
    tpu.vector_store %arg6[%swap3A_700], %swap3A_703 {strides = array<i32>} : memref<512xi32, #tpu.memory_space<vmem>>, vector<16xi32>,
    %dma_start3A_704 = arith.constant 128 : i32
    %dma_start3A_705 = tpu.memref_slice %arg7[%dma_start3A_704] : memref<512xf32, #tpu.memory_space<vmem>> -> memref<128xf32, #tpu.memory_space<vmem>>
    %dma_start3A_706 = arith.constant 128 : i32
    %dma_start3A_707 = tpu.memref_slice %arg6[%dma_start3A_706] : memref<512xi32, #tpu.memory_space<vmem>> -> memref<128xi32, #tpu.memory_space<vmem>>
    %dma_start3A_708 = arith.constant 0 : i32
    %dma_start3A_709 = tpu.memref_slice %arg2[%dma_start3A_708] : memref<134217728xf32, #tpu.memory_space<hbm>> -> memref<134217728xf32, #tpu.memory_space<hbm>>
    tpu.enqueue_indirect_dma source(%dma_start3A_709 : memref<134217728xf32, #tpu.memory_space<hbm>>) target(%dma_start3A_705 : memref<128xf32, #tpu.memory_space<vmem>>) offsets(%dma_start3A_707 : memref<128xi32, #tpu.memory_space<vmem>>) semaphore(%arg9 : memref<!tpu.dma_semaphore, #tpu.memory_space<semaphore_mem>>)
    %dma_wait3A_710 = arith.constant 0 : i32
    %dma_wait3A_711 = arith.constant 256 : i32
    %dma_wait3A_712 = tpu.memref_slice %arg5[%dma_wait3A_711] : memref<512xi32, #tpu.memory_space<vmem>> -> memref<128xi32, #tpu.memory_space<vmem>>
    %dma_wait3A_713 = tpu.memref_slice %arg3[%select_n3A, %dma_wait3A_710, %add3A_55] : memref<4x1x4096xi32, #tpu.memory_space<hbm>> -> memref<1x1x128xi32, #tpu.memory_space<hbm>>
    %dma_wait3A_714 = tpu.memref_squeeze %dma_wait3A_713 : memref<1x1x128xi32, #tpu.memory_space<hbm>> -> memref<128xi32, #tpu.memory_space<hbm>>
    %dma_wait3A_715 = arith.constant 256 : i32
    %dma_wait3A_716 = tpu.memref_slice %arg5[%dma_wait3A_715] : memref<512xi32, #tpu.memory_space<vmem>> -> memref<128xi32, #tpu.memory_space<vmem>>
    %dma_wait3A_717 = tpu.memref_slice %arg3[%select_n3A, %dma_wait3A_710, %add3A_55] : memref<4x1x4096xi32, #tpu.memory_space<hbm>> -> memref<1x1x128xi32, #tpu.memory_space<hbm>>
    %dma_wait3A_718 = tpu.memref_squeeze %dma_wait3A_717 : memref<1x1x128xi32, #tpu.memory_space<hbm>> -> memref<128xi32, #tpu.memory_space<hbm>>
    tpu.wait_dma2 semaphore(%arg8 : memref<!tpu.dma_semaphore, #tpu.memory_space<semaphore_mem>>) src(%dma_wait3A_718 : memref<128xi32, #tpu.memory_space<hbm>>) dst(%dma_wait3A_716 : memref<128xi32, #tpu.memory_space<vmem>>)
    %add3A_719 = arith.constant 256 : i32
    %add3A_720 = arith.addi %select_n3A_32, %add3A_719 : i32
    %add3A_721 = arith.constant 0 : i32
    %add3A_722 = arith.addi %add3A_720, %add3A_721 : i32
    %get3A_723 = arith.constant 256 : index
    %get3A_724 = tpu.vector_load %arg5[%get3A_723] {strides = array<i32>} : memref<512xi32, #tpu.memory_space<vmem>>, vector<16xi32>,
    %get3A_725 = vector.shape_cast %get3A_724 : vector<16xi32> to vector<16xi32>
    %mul3A_726 = arith.constant 8192 : i32
    %mul3A_727 = arith.muli %select_n3A, %mul3A_726 : i32
    %add3A_728 = vector.broadcast %mul3A_727 : i32 to vector<16xi32>
    %add3A_729 = arith.addi %get3A_725, %add3A_728 : vector<16xi32>
    %shift_right_arithmetic3A_730 = arith.constant 3 : i32
    %shift_right_arithmetic3A_731 = vector.broadcast %shift_right_arithmetic3A_730 : i32 to vector<16xi32>
    %shift_right_arithmetic3A_732 = arith.shrsi %add3A_729, %shift_right_arithmetic3A_731 : vector<16xi32>
    %mul3A_733 = arith.constant 32768 : i32
    %mul3A_734 = vector.broadcast %mul3A_733 : i32 to vector<16xi32>
    %mul3A_735 = arith.muli %shift_right_arithmetic3A_732, %mul3A_734 : vector<16xi32>
    %and3A_736 = arith.constant 7 : i32
    %and3A_737 = vector.broadcast %and3A_736 : i32 to vector<16xi32>
    %and3A_738 = arith.andi %add3A_729, %and3A_737 : vector<16xi32>
    %mul3A_739 = arith.constant 128 : i32
    %mul3A_740 = vector.broadcast %mul3A_739 : i32 to vector<16xi32>
    %mul3A_741 = arith.muli %and3A_738, %mul3A_740 : vector<16xi32>
    %add3A_742 = arith.addi %mul3A_735, %mul3A_741 : vector<16xi32>
    %shift_right_arithmetic3A_743 = arith.constant 7 : i32
    %shift_right_arithmetic3A_744 = arith.shrsi %add3A_722, %shift_right_arithmetic3A_743 : i32
    %mul3A_745 = arith.constant 1024 : i32
    %mul3A_746 = arith.muli %shift_right_arithmetic3A_744, %mul3A_745 : i32
    %and3A_747 = arith.constant 127 : i32
    %and3A_748 = arith.andi %add3A_722, %and3A_747 : i32
    %add3A_749 = arith.addi %mul3A_746, %and3A_748 : i32
    %add3A_750 = vector.broadcast %add3A_749 : i32 to vector<16xi32>
    %add3A_751 = arith.addi %add3A_742, %add3A_750 : vector<16xi32>
    %add3A_752 = arith.addi %add3A_751, %iota3A : vector<16xi32>
    %swap3A_753 = arith.constant 256 : index
    %swap3A_754 = tpu.vector_load %arg6[%swap3A_753] {strides = array<i32>} : memref<512xi32, #tpu.memory_space<vmem>>, vector<16xi32>,
    %swap3A_755 = vector.shape_cast %swap3A_754 : vector<16xi32> to vector<16xi32>
    %swap3A_756 = vector.shape_cast %add3A_752 : vector<16xi32> to vector<16xi32>
    tpu.vector_store %arg6[%swap3A_753], %swap3A_756 {strides = array<i32>} : memref<512xi32, #tpu.memory_space<vmem>>, vector<16xi32>,
    %add3A_757 = arith.constant 256 : i32
    %add3A_758 = arith.addi %select_n3A_32, %add3A_757 : i32
    %add3A_759 = arith.constant 16 : i32
    %add3A_760 = arith.addi %add3A_758, %add3A_759 : i32
    %get3A_761 = arith.constant 272 : index
    %get3A_762 = tpu.vector_load %arg5[%get3A_761] {strides = array<i32>} : memref<512xi32, #tpu.memory_space<vmem>>, vector<16xi32>,
    %get3A_763 = vector.shape_cast %get3A_762 : vector<16xi32> to vector<16xi32>
    %mul3A_764 = arith.constant 8192 : i32
    %mul3A_765 = arith.muli %select_n3A, %mul3A_764 : i32
    %add3A_766 = vector.broadcast %mul3A_765 : i32 to vector<16xi32>
    %add3A_767 = arith.addi %get3A_763, %add3A_766 : vector<16xi32>
    %shift_right_arithmetic3A_768 = arith.constant 3 : i32
    %shift_right_arithmetic3A_769 = vector.broadcast %shift_right_arithmetic3A_768 : i32 to vector<16xi32>
    %shift_right_arithmetic3A_770 = arith.shrsi %add3A_767, %shift_right_arithmetic3A_769 : vector<16xi32>
    %mul3A_771 = arith.constant 32768 : i32
    %mul3A_772 = vector.broadcast %mul3A_771 : i32 to vector<16xi32>
    %mul3A_773 = arith.muli %shift_right_arithmetic3A_770, %mul3A_772 : vector<16xi32>
    %and3A_774 = arith.constant 7 : i32
    %and3A_775 = vector.broadcast %and3A_774 : i32 to vector<16xi32>
    %and3A_776 = arith.andi %add3A_767, %and3A_775 : vector<16xi32>
    %mul3A_777 = arith.constant 128 : i32
    %mul3A_778 = vector.broadcast %mul3A_777 : i32 to vector<16xi32>
    %mul3A_779 = arith.muli %and3A_776, %mul3A_778 : vector<16xi32>
    %add3A_780 = arith.addi %mul3A_773, %mul3A_779 : vector<16xi32>
    %shift_right_arithmetic3A_781 = arith.constant 7 : i32
    %shift_right_arithmetic3A_782 = arith.shrsi %add3A_760, %shift_right_arithmetic3A_781 : i32
    %mul3A_783 = arith.constant 1024 : i32
    %mul3A_784 = arith.muli %shift_right_arithmetic3A_782, %mul3A_783 : i32
    %and3A_785 = arith.constant 127 : i32
    %and3A_786 = arith.andi %add3A_760, %and3A_785 : i32
    %add3A_787 = arith.addi %mul3A_784, %and3A_786 : i32
    %add3A_788 = vector.broadcast %add3A_787 : i32 to vector<16xi32>
    %add3A_789 = arith.addi %add3A_780, %add3A_788 : vector<16xi32>
    %add3A_790 = arith.addi %add3A_789, %iota3A : vector<16xi32>
    %swap3A_791 = arith.constant 272 : index
    %swap3A_792 = tpu.vector_load %arg6[%swap3A_791] {strides = array<i32>} : memref<512xi32, #tpu.memory_space<vmem>>, vector<16xi32>,
    %swap3A_793 = vector.shape_cast %swap3A_792 : vector<16xi32> to vector<16xi32>
    %swap3A_794 = vector.shape_cast %add3A_790 : vector<16xi32> to vector<16xi32>
    tpu.vector_store %arg6[%swap3A_791], %swap3A_794 {strides = array<i32>} : memref<512xi32, #tpu.memory_space<vmem>>, vector<16xi32>,
    %add3A_795 = arith.constant 256 : i32
    %add3A_796 = arith.addi %select_n3A_32, %add3A_795 : i32
    %add3A_797 = arith.constant 32 : i32
    %add3A_798 = arith.addi %add3A_796, %add3A_797 : i32
    %get3A_799 = arith.constant 288 : index
    %get3A_800 = tpu.vector_load %arg5[%get3A_799] {strides = array<i32>} : memref<512xi32, #tpu.memory_space<vmem>>, vector<16xi32>,
    %get3A_801 = vector.shape_cast %get3A_800 : vector<16xi32> to vector<16xi32>
    %mul3A_802 = arith.constant 8192 : i32
    %mul3A_803 = arith.muli %select_n3A, %mul3A_802 : i32
    %add3A_804 = vector.broadcast %mul3A_803 : i32 to vector<16xi32>
    %add3A_805 = arith.addi %get3A_801, %add3A_804 : vector<16xi32>
    %shift_right_arithmetic3A_806 = arith.constant 3 : i32
    %shift_right_arithmetic3A_807 = vector.broadcast %shift_right_arithmetic3A_806 : i32 to vector<16xi32>
    %shift_right_arithmetic3A_808 = arith.shrsi %add3A_805, %shift_right_arithmetic3A_807 : vector<16xi32>
    %mul3A_809 = arith.constant 32768 : i32
    %mul3A_810 = vector.broadcast %mul3A_809 : i32 to vector<16xi32>
    %mul3A_811 = arith.muli %shift_right_arithmetic3A_808, %mul3A_810 : vector<16xi32>
    %and3A_812 = arith.constant 7 : i32
    %and3A_813 = vector.broadcast %and3A_812 : i32 to vector<16xi32>
    %and3A_814 = arith.andi %add3A_805, %and3A_813 : vector<16xi32>
    %mul3A_815 = arith.constant 128 : i32
    %mul3A_816 = vector.broadcast %mul3A_815 : i32 to vector<16xi32>
    %mul3A_817 = arith.muli %and3A_814, %mul3A_816 : vector<16xi32>
    %add3A_818 = arith.addi %mul3A_811, %mul3A_817 : vector<16xi32>
    %shift_right_arithmetic3A_819 = arith.constant 7 : i32
    %shift_right_arithmetic3A_820 = arith.shrsi %add3A_798, %shift_right_arithmetic3A_819 : i32
    %mul3A_821 = arith.constant 1024 : i32
    %mul3A_822 = arith.muli %shift_right_arithmetic3A_820, %mul3A_821 : i32
    %and3A_823 = arith.constant 127 : i32
    %and3A_824 = arith.andi %add3A_798, %and3A_823 : i32
    %add3A_825 = arith.addi %mul3A_822, %and3A_824 : i32
    %add3A_826 = vector.broadcast %add3A_825 : i32 to vector<16xi32>
    %add3A_827 = arith.addi %add3A_818, %add3A_826 : vector<16xi32>
    %add3A_828 = arith.addi %add3A_827, %iota3A : vector<16xi32>
    %swap3A_829 = arith.constant 288 : index
    %swap3A_830 = tpu.vector_load %arg6[%swap3A_829] {strides = array<i32>} : memref<512xi32, #tpu.memory_space<vmem>>, vector<16xi32>,
    %swap3A_831 = vector.shape_cast %swap3A_830 : vector<16xi32> to vector<16xi32>
    %swap3A_832 = vector.shape_cast %add3A_828 : vector<16xi32> to vector<16xi32>
    tpu.vector_store %arg6[%swap3A_829], %swap3A_832 {strides = array<i32>} : memref<512xi32, #tpu.memory_space<vmem>>, vector<16xi32>,
    %add3A_833 = arith.constant 256 : i32
    %add3A_834 = arith.addi %select_n3A_32, %add3A_833 : i32
    %add3A_835 = arith.constant 48 : i32
    %add3A_836 = arith.addi %add3A_834, %add3A_835 : i32
    %get3A_837 = arith.constant 304 : index
    %get3A_838 = tpu.vector_load %arg5[%get3A_837] {strides = array<i32>} : memref<512xi32, #tpu.memory_space<vmem>>, vector<16xi32>,
    %get3A_839 = vector.shape_cast %get3A_838 : vector<16xi32> to vector<16xi32>
    %mul3A_840 = arith.constant 8192 : i32
    %mul3A_841 = arith.muli %select_n3A, %mul3A_840 : i32
    %add3A_842 = vector.broadcast %mul3A_841 : i32 to vector<16xi32>
    %add3A_843 = arith.addi %get3A_839, %add3A_842 : vector<16xi32>
    %shift_right_arithmetic3A_844 = arith.constant 3 : i32
    %shift_right_arithmetic3A_845 = vector.broadcast %shift_right_arithmetic3A_844 : i32 to vector<16xi32>
    %shift_right_arithmetic3A_846 = arith.shrsi %add3A_843, %shift_right_arithmetic3A_845 : vector<16xi32>
    %mul3A_847 = arith.constant 32768 : i32
    %mul3A_848 = vector.broadcast %mul3A_847 : i32 to vector<16xi32>
    %mul3A_849 = arith.muli %shift_right_arithmetic3A_846, %mul3A_848 : vector<16xi32>
    %and3A_850 = arith.constant 7 : i32
    %and3A_851 = vector.broadcast %and3A_850 : i32 to vector<16xi32>
    %and3A_852 = arith.andi %add3A_843, %and3A_851 : vector<16xi32>
    %mul3A_853 = arith.constant 128 : i32
    %mul3A_854 = vector.broadcast %mul3A_853 : i32 to vector<16xi32>
    %mul3A_855 = arith.muli %and3A_852, %mul3A_854 : vector<16xi32>
    %add3A_856 = arith.addi %mul3A_849, %mul3A_855 : vector<16xi32>
    %shift_right_arithmetic3A_857 = arith.constant 7 : i32
    %shift_right_arithmetic3A_858 = arith.shrsi %add3A_836, %shift_right_arithmetic3A_857 : i32
    %mul3A_859 = arith.constant 1024 : i32
    %mul3A_860 = arith.muli %shift_right_arithmetic3A_858, %mul3A_859 : i32
    %and3A_861 = arith.constant 127 : i32
    %and3A_862 = arith.andi %add3A_836, %and3A_861 : i32
    %add3A_863 = arith.addi %mul3A_860, %and3A_862 : i32
    %add3A_864 = vector.broadcast %add3A_863 : i32 to vector<16xi32>
    %add3A_865 = arith.addi %add3A_856, %add3A_864 : vector<16xi32>
    %add3A_866 = arith.addi %add3A_865, %iota3A : vector<16xi32>
    %swap3A_867 = arith.constant 304 : index
    %swap3A_868 = tpu.vector_load %arg6[%swap3A_867] {strides = array<i32>} : memref<512xi32, #tpu.memory_space<vmem>>, vector<16xi32>,
    %swap3A_869 = vector.shape_cast %swap3A_868 : vector<16xi32> to vector<16xi32>
    %swap3A_870 = vector.shape_cast %add3A_866 : vector<16xi32> to vector<16xi32>
    tpu.vector_store %arg6[%swap3A_867], %swap3A_870 {strides = array<i32>} : memref<512xi32, #tpu.memory_space<vmem>>, vector<16xi32>,
    %add3A_871 = arith.constant 256 : i32
    %add3A_872 = arith.addi %select_n3A_32, %add3A_871 : i32
    %add3A_873 = arith.constant 64 : i32
    %add3A_874 = arith.addi %add3A_872, %add3A_873 : i32
    %get3A_875 = arith.constant 320 : index
    %get3A_876 = tpu.vector_load %arg5[%get3A_875] {strides = array<i32>} : memref<512xi32, #tpu.memory_space<vmem>>, vector<16xi32>,
    %get3A_877 = vector.shape_cast %get3A_876 : vector<16xi32> to vector<16xi32>
    %mul3A_878 = arith.constant 8192 : i32
    %mul3A_879 = arith.muli %select_n3A, %mul3A_878 : i32
    %add3A_880 = vector.broadcast %mul3A_879 : i32 to vector<16xi32>
    %add3A_881 = arith.addi %get3A_877, %add3A_880 : vector<16xi32>
    %shift_right_arithmetic3A_882 = arith.constant 3 : i32
    %shift_right_arithmetic3A_883 = vector.broadcast %shift_right_arithmetic3A_882 : i32 to vector<16xi32>
    %shift_right_arithmetic3A_884 = arith.shrsi %add3A_881, %shift_right_arithmetic3A_883 : vector<16xi32>
    %mul3A_885 = arith.constant 32768 : i32
    %mul3A_886 = vector.broadcast %mul3A_885 : i32 to vector<16xi32>
    %mul3A_887 = arith.muli %shift_right_arithmetic3A_884, %mul3A_886 : vector<16xi32>
    %and3A_888 = arith.constant 7 : i32
    %and3A_889 = vector.broadcast %and3A_888 : i32 to vector<16xi32>
    %and3A_890 = arith.andi %add3A_881, %and3A_889 : vector<16xi32>
    %mul3A_891 = arith.constant 128 : i32
    %mul3A_892 = vector.broadcast %mul3A_891 : i32 to vector<16xi32>
    %mul3A_893 = arith.muli %and3A_890, %mul3A_892 : vector<16xi32>
    %add3A_894 = arith.addi %mul3A_887, %mul3A_893 : vector<16xi32>
    %shift_right_arithmetic3A_895 = arith.constant 7 : i32
    %shift_right_arithmetic3A_896 = arith.shrsi %add3A_874, %shift_right_arithmetic3A_895 : i32
    %mul3A_897 = arith.constant 1024 : i32
    %mul3A_898 = arith.muli %shift_right_arithmetic3A_896, %mul3A_897 : i32
    %and3A_899 = arith.constant 127 : i32
    %and3A_900 = arith.andi %add3A_874, %and3A_899 : i32
    %add3A_901 = arith.addi %mul3A_898, %and3A_900 : i32
    %add3A_902 = vector.broadcast %add3A_901 : i32 to vector<16xi32>
    %add3A_903 = arith.addi %add3A_894, %add3A_902 : vector<16xi32>
    %add3A_904 = arith.addi %add3A_903, %iota3A : vector<16xi32>
    %swap3A_905 = arith.constant 320 : index
    %swap3A_906 = tpu.vector_load %arg6[%swap3A_905] {strides = array<i32>} : memref<512xi32, #tpu.memory_space<vmem>>, vector<16xi32>,
    %swap3A_907 = vector.shape_cast %swap3A_906 : vector<16xi32> to vector<16xi32>
    %swap3A_908 = vector.shape_cast %add3A_904 : vector<16xi32> to vector<16xi32>
    tpu.vector_store %arg6[%swap3A_905], %swap3A_908 {strides = array<i32>} : memref<512xi32, #tpu.memory_space<vmem>>, vector<16xi32>,
    %add3A_909 = arith.constant 256 : i32
    %add3A_910 = arith.addi %select_n3A_32, %add3A_909 : i32
    %add3A_911 = arith.constant 80 : i32
    %add3A_912 = arith.addi %add3A_910, %add3A_911 : i32
    %get3A_913 = arith.constant 336 : index
    %get3A_914 = tpu.vector_load %arg5[%get3A_913] {strides = array<i32>} : memref<512xi32, #tpu.memory_space<vmem>>, vector<16xi32>,
    %get3A_915 = vector.shape_cast %get3A_914 : vector<16xi32> to vector<16xi32>
    %mul3A_916 = arith.constant 8192 : i32
    %mul3A_917 = arith.muli %select_n3A, %mul3A_916 : i32
    %add3A_918 = vector.broadcast %mul3A_917 : i32 to vector<16xi32>
    %add3A_919 = arith.addi %get3A_915, %add3A_918 : vector<16xi32>
    %shift_right_arithmetic3A_920 = arith.constant 3 : i32
    %shift_right_arithmetic3A_921 = vector.broadcast %shift_right_arithmetic3A_920 : i32 to vector<16xi32>
    %shift_right_arithmetic3A_922 = arith.shrsi %add3A_919, %shift_right_arithmetic3A_921 : vector<16xi32>
    %mul3A_923 = arith.constant 32768 : i32
    %mul3A_924 = vector.broadcast %mul3A_923 : i32 to vector<16xi32>
    %mul3A_925 = arith.muli %shift_right_arithmetic3A_922, %mul3A_924 : vector<16xi32>
    %and3A_926 = arith.constant 7 : i32
    %and3A_927 = vector.broadcast %and3A_926 : i32 to vector<16xi32>
    %and3A_928 = arith.andi %add3A_919, %and3A_927 : vector<16xi32>
    %mul3A_929 = arith.constant 128 : i32
    %mul3A_930 = vector.broadcast %mul3A_929 : i32 to vector<16xi32>
    %mul3A_931 = arith.muli %and3A_928, %mul3A_930 : vector<16xi32>
    %add3A_932 = arith.addi %mul3A_925, %mul3A_931 : vector<16xi32>
    %shift_right_arithmetic3A_933 = arith.constant 7 : i32
    %shift_right_arithmetic3A_934 = arith.shrsi %add3A_912, %shift_right_arithmetic3A_933 : i32
    %mul3A_935 = arith.constant 1024 : i32
    %mul3A_936 = arith.muli %shift_right_arithmetic3A_934, %mul3A_935 : i32
    %and3A_937 = arith.constant 127 : i32
    %and3A_938 = arith.andi %add3A_912, %and3A_937 : i32
    %add3A_939 = arith.addi %mul3A_936, %and3A_938 : i32
    %add3A_940 = vector.broadcast %add3A_939 : i32 to vector<16xi32>
    %add3A_941 = arith.addi %add3A_932, %add3A_940 : vector<16xi32>
    %add3A_942 = arith.addi %add3A_941, %iota3A : vector<16xi32>
    %swap3A_943 = arith.constant 336 : index
    %swap3A_944 = tpu.vector_load %arg6[%swap3A_943] {strides = array<i32>} : memref<512xi32, #tpu.memory_space<vmem>>, vector<16xi32>,
    %swap3A_945 = vector.shape_cast %swap3A_944 : vector<16xi32> to vector<16xi32>
    %swap3A_946 = vector.shape_cast %add3A_942 : vector<16xi32> to vector<16xi32>
    tpu.vector_store %arg6[%swap3A_943], %swap3A_946 {strides = array<i32>} : memref<512xi32, #tpu.memory_space<vmem>>, vector<16xi32>,
    %add3A_947 = arith.constant 256 : i32
    %add3A_948 = arith.addi %select_n3A_32, %add3A_947 : i32
    %add3A_949 = arith.constant 96 : i32
    %add3A_950 = arith.addi %add3A_948, %add3A_949 : i32
    %get3A_951 = arith.constant 352 : index
    %get3A_952 = tpu.vector_load %arg5[%get3A_951] {strides = array<i32>} : memref<512xi32, #tpu.memory_space<vmem>>, vector<16xi32>,
    %get3A_953 = vector.shape_cast %get3A_952 : vector<16xi32> to vector<16xi32>
    %mul3A_954 = arith.constant 8192 : i32
    %mul3A_955 = arith.muli %select_n3A, %mul3A_954 : i32
    %add3A_956 = vector.broadcast %mul3A_955 : i32 to vector<16xi32>
    %add3A_957 = arith.addi %get3A_953, %add3A_956 : vector<16xi32>
    %shift_right_arithmetic3A_958 = arith.constant 3 : i32
    %shift_right_arithmetic3A_959 = vector.broadcast %shift_right_arithmetic3A_958 : i32 to vector<16xi32>
    %shift_right_arithmetic3A_960 = arith.shrsi %add3A_957, %shift_right_arithmetic3A_959 : vector<16xi32>
    %mul3A_961 = arith.constant 32768 : i32
    %mul3A_962 = vector.broadcast %mul3A_961 : i32 to vector<16xi32>
    %mul3A_963 = arith.muli %shift_right_arithmetic3A_960, %mul3A_962 : vector<16xi32>
    %and3A_964 = arith.constant 7 : i32
    %and3A_965 = vector.broadcast %and3A_964 : i32 to vector<16xi32>
    %and3A_966 = arith.andi %add3A_957, %and3A_965 : vector<16xi32>
    %mul3A_967 = arith.constant 128 : i32
    %mul3A_968 = vector.broadcast %mul3A_967 : i32 to vector<16xi32>
    %mul3A_969 = arith.muli %and3A_966, %mul3A_968 : vector<16xi32>
    %add3A_970 = arith.addi %mul3A_963, %mul3A_969 : vector<16xi32>
    %shift_right_arithmetic3A_971 = arith.constant 7 : i32
    %shift_right_arithmetic3A_972 = arith.shrsi %add3A_950, %shift_right_arithmetic3A_971 : i32
    %mul3A_973 = arith.constant 1024 : i32
    %mul3A_974 = arith.muli %shift_right_arithmetic3A_972, %mul3A_973 : i32
    %and3A_975 = arith.constant 127 : i32
    %and3A_976 = arith.andi %add3A_950, %and3A_975 : i32
    %add3A_977 = arith.addi %mul3A_974, %and3A_976 : i32
    %add3A_978 = vector.broadcast %add3A_977 : i32 to vector<16xi32>
    %add3A_979 = arith.addi %add3A_970, %add3A_978 : vector<16xi32>
    %add3A_980 = arith.addi %add3A_979, %iota3A : vector<16xi32>
    %swap3A_981 = arith.constant 352 : index
    %swap3A_982 = tpu.vector_load %arg6[%swap3A_981] {strides = array<i32>} : memref<512xi32, #tpu.memory_space<vmem>>, vector<16xi32>,
    %swap3A_983 = vector.shape_cast %swap3A_982 : vector<16xi32> to vector<16xi32>
    %swap3A_984 = vector.shape_cast %add3A_980 : vector<16xi32> to vector<16xi32>
    tpu.vector_store %arg6[%swap3A_981], %swap3A_984 {strides = array<i32>} : memref<512xi32, #tpu.memory_space<vmem>>, vector<16xi32>,
    %add3A_985 = arith.constant 256 : i32
    %add3A_986 = arith.addi %select_n3A_32, %add3A_985 : i32
    %add3A_987 = arith.constant 112 : i32
    %add3A_988 = arith.addi %add3A_986, %add3A_987 : i32
    %get3A_989 = arith.constant 368 : index
    %get3A_990 = tpu.vector_load %arg5[%get3A_989] {strides = array<i32>} : memref<512xi32, #tpu.memory_space<vmem>>, vector<16xi32>,
    %get3A_991 = vector.shape_cast %get3A_990 : vector<16xi32> to vector<16xi32>
    %mul3A_992 = arith.constant 8192 : i32
    %mul3A_993 = arith.muli %select_n3A, %mul3A_992 : i32
    %add3A_994 = vector.broadcast %mul3A_993 : i32 to vector<16xi32>
    %add3A_995 = arith.addi %get3A_991, %add3A_994 : vector<16xi32>
    %shift_right_arithmetic3A_996 = arith.constant 3 : i32
    %shift_right_arithmetic3A_997 = vector.broadcast %shift_right_arithmetic3A_996 : i32 to vector<16xi32>
    %shift_right_arithmetic3A_998 = arith.shrsi %add3A_995, %shift_right_arithmetic3A_997 : vector<16xi32>
    %mul3A_999 = arith.constant 32768 : i32
    %mul3A_1000 = vector.broadcast %mul3A_999 : i32 to vector<16xi32>
    %mul3A_1001 = arith.muli %shift_right_arithmetic3A_998, %mul3A_1000 : vector<16xi32>
    %and3A_1002 = arith.constant 7 : i32
    %and3A_1003 = vector.broadcast %and3A_1002 : i32 to vector<16xi32>
    %and3A_1004 = arith.andi %add3A_995, %and3A_1003 : vector<16xi32>
    %mul3A_1005 = arith.constant 128 : i32
    %mul3A_1006 = vector.broadcast %mul3A_1005 : i32 to vector<16xi32>
    %mul3A_1007 = arith.muli %and3A_1004, %mul3A_1006 : vector<16xi32>
    %add3A_1008 = arith.addi %mul3A_1001, %mul3A_1007 : vector<16xi32>
    %shift_right_arithmetic3A_1009 = arith.constant 7 : i32
    %shift_right_arithmetic3A_1010 = arith.shrsi %add3A_988, %shift_right_arithmetic3A_1009 : i32
    %mul3A_1011 = arith.constant 1024 : i32
    %mul3A_1012 = arith.muli %shift_right_arithmetic3A_1010, %mul3A_1011 : i32
    %and3A_1013 = arith.constant 127 : i32
    %and3A_1014 = arith.andi %add3A_988, %and3A_1013 : i32
    %add3A_1015 = arith.addi %mul3A_1012, %and3A_1014 : i32
    %add3A_1016 = vector.broadcast %add3A_1015 : i32 to vector<16xi32>
    %add3A_1017 = arith.addi %add3A_1008, %add3A_1016 : vector<16xi32>
    %add3A_1018 = arith.addi %add3A_1017, %iota3A : vector<16xi32>
    %swap3A_1019 = arith.constant 368 : index
    %swap3A_1020 = tpu.vector_load %arg6[%swap3A_1019] {strides = array<i32>} : memref<512xi32, #tpu.memory_space<vmem>>, vector<16xi32>,
    %swap3A_1021 = vector.shape_cast %swap3A_1020 : vector<16xi32> to vector<16xi32>
    %swap3A_1022 = vector.shape_cast %add3A_1018 : vector<16xi32> to vector<16xi32>
    tpu.vector_store %arg6[%swap3A_1019], %swap3A_1022 {strides = array<i32>} : memref<512xi32, #tpu.memory_space<vmem>>, vector<16xi32>,
    %dma_start3A_1023 = arith.constant 256 : i32
    %dma_start3A_1024 = tpu.memref_slice %arg7[%dma_start3A_1023] : memref<512xf32, #tpu.memory_space<vmem>> -> memref<128xf32, #tpu.memory_space<vmem>>
    %dma_start3A_1025 = arith.constant 256 : i32
    %dma_start3A_1026 = tpu.memref_slice %arg6[%dma_start3A_1025] : memref<512xi32, #tpu.memory_space<vmem>> -> memref<128xi32, #tpu.memory_space<vmem>>
    %dma_start3A_1027 = arith.constant 0 : i32
    %dma_start3A_1028 = tpu.memref_slice %arg2[%dma_start3A_1027] : memref<134217728xf32, #tpu.memory_space<hbm>> -> memref<134217728xf32, #tpu.memory_space<hbm>>
    tpu.enqueue_indirect_dma source(%dma_start3A_1028 : memref<134217728xf32, #tpu.memory_space<hbm>>) target(%dma_start3A_1024 : memref<128xf32, #tpu.memory_space<vmem>>) offsets(%dma_start3A_1026 : memref<128xi32, #tpu.memory_space<vmem>>) semaphore(%arg9 : memref<!tpu.dma_semaphore, #tpu.memory_space<semaphore_mem>>)
    %dma_wait3A_1029 = arith.constant 0 : i32
    %dma_wait3A_1030 = arith.constant 384 : i32
    %dma_wait3A_1031 = tpu.memref_slice %arg5[%dma_wait3A_1030] : memref<512xi32, #tpu.memory_space<vmem>> -> memref<128xi32, #tpu.memory_space<vmem>>
    %dma_wait3A_1032 = tpu.memref_slice %arg3[%select_n3A, %dma_wait3A_1029, %add3A_66] : memref<4x1x4096xi32, #tpu.memory_space<hbm>> -> memref<1x1x128xi32, #tpu.memory_space<hbm>>
    %dma_wait3A_1033 = tpu.memref_squeeze %dma_wait3A_1032 : memref<1x1x128xi32, #tpu.memory_space<hbm>> -> memref<128xi32, #tpu.memory_space<hbm>>
    %dma_wait3A_1034 = arith.constant 384 : i32
    %dma_wait3A_1035 = tpu.memref_slice %arg5[%dma_wait3A_1034] : memref<512xi32, #tpu.memory_space<vmem>> -> memref<128xi32, #tpu.memory_space<vmem>>
    %dma_wait3A_1036 = tpu.memref_slice %arg3[%select_n3A, %dma_wait3A_1029, %add3A_66] : memref<4x1x4096xi32, #tpu.memory_space<hbm>> -> memref<1x1x128xi32, #tpu.memory_space<hbm>>
    %dma_wait3A_1037 = tpu.memref_squeeze %dma_wait3A_1036 : memref<1x1x128xi32, #tpu.memory_space<hbm>> -> memref<128xi32, #tpu.memory_space<hbm>>
    tpu.wait_dma2 semaphore(%arg8 : memref<!tpu.dma_semaphore, #tpu.memory_space<semaphore_mem>>) src(%dma_wait3A_1037 : memref<128xi32, #tpu.memory_space<hbm>>) dst(%dma_wait3A_1035 : memref<128xi32, #tpu.memory_space<vmem>>)
    %add3A_1038 = arith.constant 384 : i32
    %add3A_1039 = arith.addi %select_n3A_32, %add3A_1038 : i32
    %add3A_1040 = arith.constant 0 : i32
    %add3A_1041 = arith.addi %add3A_1039, %add3A_1040 : i32
    %get3A_1042 = arith.constant 384 : index
    %get3A_1043 = tpu.vector_load %arg5[%get3A_1042] {strides = array<i32>} : memref<512xi32, #tpu.memory_space<vmem>>, vector<16xi32>,
    %get3A_1044 = vector.shape_cast %get3A_1043 : vector<16xi32> to vector<16xi32>
    %mul3A_1045 = arith.constant 8192 : i32
    %mul3A_1046 = arith.muli %select_n3A, %mul3A_1045 : i32
    %add3A_1047 = vector.broadcast %mul3A_1046 : i32 to vector<16xi32>
    %add3A_1048 = arith.addi %get3A_1044, %add3A_1047 : vector<16xi32>
    %shift_right_arithmetic3A_1049 = arith.constant 3 : i32
    %shift_right_arithmetic3A_1050 = vector.broadcast %shift_right_arithmetic3A_1049 : i32 to vector<16xi32>
    %shift_right_arithmetic3A_1051 = arith.shrsi %add3A_1048, %shift_right_arithmetic3A_1050 : vector<16xi32>
    %mul3A_1052 = arith.constant 32768 : i32
    %mul3A_1053 = vector.broadcast %mul3A_1052 : i32 to vector<16xi32>
    %mul3A_1054 = arith.muli %shift_right_arithmetic3A_1051, %mul3A_1053 : vector<16xi32>
    %and3A_1055 = arith.constant 7 : i32
    %and3A_1056 = vector.broadcast %and3A_1055 : i32 to vector<16xi32>
    %and3A_1057 = arith.andi %add3A_1048, %and3A_1056 : vector<16xi32>
    %mul3A_1058 = arith.constant 128 : i32
    %mul3A_1059 = vector.broadcast %mul3A_1058 : i32 to vector<16xi32>
    %mul3A_1060 = arith.muli %and3A_1057, %mul3A_1059 : vector<16xi32>
    %add3A_1061 = arith.addi %mul3A_1054, %mul3A_1060 : vector<16xi32>
    %shift_right_arithmetic3A_1062 = arith.constant 7 : i32
    %shift_right_arithmetic3A_1063 = arith.shrsi %add3A_1041, %shift_right_arithmetic3A_1062 : i32
    %mul3A_1064 = arith.constant 1024 : i32
    %mul3A_1065 = arith.muli %shift_right_arithmetic3A_1063, %mul3A_1064 : i32
    %and3A_1066 = arith.constant 127 : i32
    %and3A_1067 = arith.andi %add3A_1041, %and3A_1066 : i32
    %add3A_1068 = arith.addi %mul3A_1065, %and3A_1067 : i32
    %add3A_1069 = vector.broadcast %add3A_1068 : i32 to vector<16xi32>
    %add3A_1070 = arith.addi %add3A_1061, %add3A_1069 : vector<16xi32>
    %add3A_1071 = arith.addi %add3A_1070, %iota3A : vector<16xi32>
    %swap3A_1072 = arith.constant 384 : index
    %swap3A_1073 = tpu.vector_load %arg6[%swap3A_1072] {strides = array<i32>} : memref<512xi32, #tpu.memory_space<vmem>>, vector<16xi32>,
    %swap3A_1074 = vector.shape_cast %swap3A_1073 : vector<16xi32> to vector<16xi32>
    %swap3A_1075 = vector.shape_cast %add3A_1071 : vector<16xi32> to vector<16xi32>
    tpu.vector_store %arg6[%swap3A_1072], %swap3A_1075 {strides = array<i32>} : memref<512xi32, #tpu.memory_space<vmem>>, vector<16xi32>,
    %add3A_1076 = arith.constant 384 : i32
    %add3A_1077 = arith.addi %select_n3A_32, %add3A_1076 : i32
    %add3A_1078 = arith.constant 16 : i32
    %add3A_1079 = arith.addi %add3A_1077, %add3A_1078 : i32
    %get3A_1080 = arith.constant 400 : index
    %get3A_1081 = tpu.vector_load %arg5[%get3A_1080] {strides = array<i32>} : memref<512xi32, #tpu.memory_space<vmem>>, vector<16xi32>,
    %get3A_1082 = vector.shape_cast %get3A_1081 : vector<16xi32> to vector<16xi32>
    %mul3A_1083 = arith.constant 8192 : i32
    %mul3A_1084 = arith.muli %select_n3A, %mul3A_1083 : i32
    %add3A_1085 = vector.broadcast %mul3A_1084 : i32 to vector<16xi32>
    %add3A_1086 = arith.addi %get3A_1082, %add3A_1085 : vector<16xi32>
    %shift_right_arithmetic3A_1087 = arith.constant 3 : i32
    %shift_right_arithmetic3A_1088 = vector.broadcast %shift_right_arithmetic3A_1087 : i32 to vector<16xi32>
    %shift_right_arithmetic3A_1089 = arith.shrsi %add3A_1086, %shift_right_arithmetic3A_1088 : vector<16xi32>
    %mul3A_1090 = arith.constant 32768 : i32
    %mul3A_1091 = vector.broadcast %mul3A_1090 : i32 to vector<16xi32>
    %mul3A_1092 = arith.muli %shift_right_arithmetic3A_1089, %mul3A_1091 : vector<16xi32>
    %and3A_1093 = arith.constant 7 : i32
    %and3A_1094 = vector.broadcast %and3A_1093 : i32 to vector<16xi32>
    %and3A_1095 = arith.andi %add3A_1086, %and3A_1094 : vector<16xi32>
    %mul3A_1096 = arith.constant 128 : i32
    %mul3A_1097 = vector.broadcast %mul3A_1096 : i32 to vector<16xi32>
    %mul3A_1098 = arith.muli %and3A_1095, %mul3A_1097 : vector<16xi32>
    %add3A_1099 = arith.addi %mul3A_1092, %mul3A_1098 : vector<16xi32>
    %shift_right_arithmetic3A_1100 = arith.constant 7 : i32
    %shift_right_arithmetic3A_1101 = arith.shrsi %add3A_1079, %shift_right_arithmetic3A_1100 : i32
    %mul3A_1102 = arith.constant 1024 : i32
    %mul3A_1103 = arith.muli %shift_right_arithmetic3A_1101, %mul3A_1102 : i32
    %and3A_1104 = arith.constant 127 : i32
    %and3A_1105 = arith.andi %add3A_1079, %and3A_1104 : i32
    %add3A_1106 = arith.addi %mul3A_1103, %and3A_1105 : i32
    %add3A_1107 = vector.broadcast %add3A_1106 : i32 to vector<16xi32>
    %add3A_1108 = arith.addi %add3A_1099, %add3A_1107 : vector<16xi32>
    %add3A_1109 = arith.addi %add3A_1108, %iota3A : vector<16xi32>
    %swap3A_1110 = arith.constant 400 : index
    %swap3A_1111 = tpu.vector_load %arg6[%swap3A_1110] {strides = array<i32>} : memref<512xi32, #tpu.memory_space<vmem>>, vector<16xi32>,
    %swap3A_1112 = vector.shape_cast %swap3A_1111 : vector<16xi32> to vector<16xi32>
    %swap3A_1113 = vector.shape_cast %add3A_1109 : vector<16xi32> to vector<16xi32>
    tpu.vector_store %arg6[%swap3A_1110], %swap3A_1113 {strides = array<i32>} : memref<512xi32, #tpu.memory_space<vmem>>, vector<16xi32>,
    %add3A_1114 = arith.constant 384 : i32
    %add3A_1115 = arith.addi %select_n3A_32, %add3A_1114 : i32
    %add3A_1116 = arith.constant 32 : i32
    %add3A_1117 = arith.addi %add3A_1115, %add3A_1116 : i32
    %get3A_1118 = arith.constant 416 : index
    %get3A_1119 = tpu.vector_load %arg5[%get3A_1118] {strides = array<i32>} : memref<512xi32, #tpu.memory_space<vmem>>, vector<16xi32>,
    %get3A_1120 = vector.shape_cast %get3A_1119 : vector<16xi32> to vector<16xi32>
    %mul3A_1121 = arith.constant 8192 : i32
    %mul3A_1122 = arith.muli %select_n3A, %mul3A_1121 : i32
    %add3A_1123 = vector.broadcast %mul3A_1122 : i32 to vector<16xi32>
    %add3A_1124 = arith.addi %get3A_1120, %add3A_1123 : vector<16xi32>
    %shift_right_arithmetic3A_1125 = arith.constant 3 : i32
    %shift_right_arithmetic3A_1126 = vector.broadcast %shift_right_arithmetic3A_1125 : i32 to vector<16xi32>
    %shift_right_arithmetic3A_1127 = arith.shrsi %add3A_1124, %shift_right_arithmetic3A_1126 : vector<16xi32>
    %mul3A_1128 = arith.constant 32768 : i32
    %mul3A_1129 = vector.broadcast %mul3A_1128 : i32 to vector<16xi32>
    %mul3A_1130 = arith.muli %shift_right_arithmetic3A_1127, %mul3A_1129 : vector<16xi32>
    %and3A_1131 = arith.constant 7 : i32
    %and3A_1132 = vector.broadcast %and3A_1131 : i32 to vector<16xi32>
    %and3A_1133 = arith.andi %add3A_1124, %and3A_1132 : vector<16xi32>
    %mul3A_1134 = arith.constant 128 : i32
    %mul3A_1135 = vector.broadcast %mul3A_1134 : i32 to vector<16xi32>
    %mul3A_1136 = arith.muli %and3A_1133, %mul3A_1135 : vector<16xi32>
    %add3A_1137 = arith.addi %mul3A_1130, %mul3A_1136 : vector<16xi32>
    %shift_right_arithmetic3A_1138 = arith.constant 7 : i32
    %shift_right_arithmetic3A_1139 = arith.shrsi %add3A_1117, %shift_right_arithmetic3A_1138 : i32
    %mul3A_1140 = arith.constant 1024 : i32
    %mul3A_1141 = arith.muli %shift_right_arithmetic3A_1139, %mul3A_1140 : i32
    %and3A_1142 = arith.constant 127 : i32
    %and3A_1143 = arith.andi %add3A_1117, %and3A_1142 : i32
    %add3A_1144 = arith.addi %mul3A_1141, %and3A_1143 : i32
    %add3A_1145 = vector.broadcast %add3A_1144 : i32 to vector<16xi32>
    %add3A_1146 = arith.addi %add3A_1137, %add3A_1145 : vector<16xi32>
    %add3A_1147 = arith.addi %add3A_1146, %iota3A : vector<16xi32>
    %swap3A_1148 = arith.constant 416 : index
    %swap3A_1149 = tpu.vector_load %arg6[%swap3A_1148] {strides = array<i32>} : memref<512xi32, #tpu.memory_space<vmem>>, vector<16xi32>,
    %swap3A_1150 = vector.shape_cast %swap3A_1149 : vector<16xi32> to vector<16xi32>
    %swap3A_1151 = vector.shape_cast %add3A_1147 : vector<16xi32> to vector<16xi32>
    tpu.vector_store %arg6[%swap3A_1148], %swap3A_1151 {strides = array<i32>} : memref<512xi32, #tpu.memory_space<vmem>>, vector<16xi32>,
    %add3A_1152 = arith.constant 384 : i32
    %add3A_1153 = arith.addi %select_n3A_32, %add3A_1152 : i32
    %add3A_1154 = arith.constant 48 : i32
    %add3A_1155 = arith.addi %add3A_1153, %add3A_1154 : i32
    %get3A_1156 = arith.constant 432 : index
    %get3A_1157 = tpu.vector_load %arg5[%get3A_1156] {strides = array<i32>} : memref<512xi32, #tpu.memory_space<vmem>>, vector<16xi32>,
    %get3A_1158 = vector.shape_cast %get3A_1157 : vector<16xi32> to vector<16xi32>
    %mul3A_1159 = arith.constant 8192 : i32
    %mul3A_1160 = arith.muli %select_n3A, %mul3A_1159 : i32
    %add3A_1161 = vector.broadcast %mul3A_1160 : i32 to vector<16xi32>
    %add3A_1162 = arith.addi %get3A_1158, %add3A_1161 : vector<16xi32>
    %shift_right_arithmetic3A_1163 = arith.constant 3 : i32
    %shift_right_arithmetic3A_1164 = vector.broadcast %shift_right_arithmetic3A_1163 : i32 to vector<16xi32>
    %shift_right_arithmetic3A_1165 = arith.shrsi %add3A_1162, %shift_right_arithmetic3A_1164 : vector<16xi32>
    %mul3A_1166 = arith.constant 32768 : i32
    %mul3A_1167 = vector.broadcast %mul3A_1166 : i32 to vector<16xi32>
    %mul3A_1168 = arith.muli %shift_right_arithmetic3A_1165, %mul3A_1167 : vector<16xi32>
    %and3A_1169 = arith.constant 7 : i32
    %and3A_1170 = vector.broadcast %and3A_1169 : i32 to vector<16xi32>
    %and3A_1171 = arith.andi %add3A_1162, %and3A_1170 : vector<16xi32>
    %mul3A_1172 = arith.constant 128 : i32
    %mul3A_1173 = vector.broadcast %mul3A_1172 : i32 to vector<16xi32>
    %mul3A_1174 = arith.muli %and3A_1171, %mul3A_1173 : vector<16xi32>
    %add3A_1175 = arith.addi %mul3A_1168, %mul3A_1174 : vector<16xi32>
    %shift_right_arithmetic3A_1176 = arith.constant 7 : i32
    %shift_right_arithmetic3A_1177 = arith.shrsi %add3A_1155, %shift_right_arithmetic3A_1176 : i32
    %mul3A_1178 = arith.constant 1024 : i32
    %mul3A_1179 = arith.muli %shift_right_arithmetic3A_1177, %mul3A_1178 : i32
    %and3A_1180 = arith.constant 127 : i32
    %and3A_1181 = arith.andi %add3A_1155, %and3A_1180 : i32
    %add3A_1182 = arith.addi %mul3A_1179, %and3A_1181 : i32
    %add3A_1183 = vector.broadcast %add3A_1182 : i32 to vector<16xi32>
    %add3A_1184 = arith.addi %add3A_1175, %add3A_1183 : vector<16xi32>
    %add3A_1185 = arith.addi %add3A_1184, %iota3A : vector<16xi32>
    %swap3A_1186 = arith.constant 432 : index
    %swap3A_1187 = tpu.vector_load %arg6[%swap3A_1186] {strides = array<i32>} : memref<512xi32, #tpu.memory_space<vmem>>, vector<16xi32>,
    %swap3A_1188 = vector.shape_cast %swap3A_1187 : vector<16xi32> to vector<16xi32>
    %swap3A_1189 = vector.shape_cast %add3A_1185 : vector<16xi32> to vector<16xi32>
    tpu.vector_store %arg6[%swap3A_1186], %swap3A_1189 {strides = array<i32>} : memref<512xi32, #tpu.memory_space<vmem>>, vector<16xi32>,
    %add3A_1190 = arith.constant 384 : i32
    %add3A_1191 = arith.addi %select_n3A_32, %add3A_1190 : i32
    %add3A_1192 = arith.constant 64 : i32
    %add3A_1193 = arith.addi %add3A_1191, %add3A_1192 : i32
    %get3A_1194 = arith.constant 448 : index
    %get3A_1195 = tpu.vector_load %arg5[%get3A_1194] {strides = array<i32>} : memref<512xi32, #tpu.memory_space<vmem>>, vector<16xi32>,
    %get3A_1196 = vector.shape_cast %get3A_1195 : vector<16xi32> to vector<16xi32>
    %mul3A_1197 = arith.constant 8192 : i32
    %mul3A_1198 = arith.muli %select_n3A, %mul3A_1197 : i32
    %add3A_1199 = vector.broadcast %mul3A_1198 : i32 to vector<16xi32>
    %add3A_1200 = arith.addi %get3A_1196, %add3A_1199 : vector<16xi32>
    %shift_right_arithmetic3A_1201 = arith.constant 3 : i32
    %shift_right_arithmetic3A_1202 = vector.broadcast %shift_right_arithmetic3A_1201 : i32 to vector<16xi32>
    %shift_right_arithmetic3A_1203 = arith.shrsi %add3A_1200, %shift_right_arithmetic3A_1202 : vector<16xi32>
    %mul3A_1204 = arith.constant 32768 : i32
    %mul3A_1205 = vector.broadcast %mul3A_1204 : i32 to vector<16xi32>
    %mul3A_1206 = arith.muli %shift_right_arithmetic3A_1203, %mul3A_1205 : vector<16xi32>
    %and3A_1207 = arith.constant 7 : i32
    %and3A_1208 = vector.broadcast %and3A_1207 : i32 to vector<16xi32>
    %and3A_1209 = arith.andi %add3A_1200, %and3A_1208 : vector<16xi32>
    %mul3A_1210 = arith.constant 128 : i32
    %mul3A_1211 = vector.broadcast %mul3A_1210 : i32 to vector<16xi32>
    %mul3A_1212 = arith.muli %and3A_1209, %mul3A_1211 : vector<16xi32>
    %add3A_1213 = arith.addi %mul3A_1206, %mul3A_1212 : vector<16xi32>
    %shift_right_arithmetic3A_1214 = arith.constant 7 : i32
    %shift_right_arithmetic3A_1215 = arith.shrsi %add3A_1193, %shift_right_arithmetic3A_1214 : i32
    %mul3A_1216 = arith.constant 1024 : i32
    %mul3A_1217 = arith.muli %shift_right_arithmetic3A_1215, %mul3A_1216 : i32
    %and3A_1218 = arith.constant 127 : i32
    %and3A_1219 = arith.andi %add3A_1193, %and3A_1218 : i32
    %add3A_1220 = arith.addi %mul3A_1217, %and3A_1219 : i32
    %add3A_1221 = vector.broadcast %add3A_1220 : i32 to vector<16xi32>
    %add3A_1222 = arith.addi %add3A_1213, %add3A_1221 : vector<16xi32>
    %add3A_1223 = arith.addi %add3A_1222, %iota3A : vector<16xi32>
    %swap3A_1224 = arith.constant 448 : index
    %swap3A_1225 = tpu.vector_load %arg6[%swap3A_1224] {strides = array<i32>} : memref<512xi32, #tpu.memory_space<vmem>>, vector<16xi32>,
    %swap3A_1226 = vector.shape_cast %swap3A_1225 : vector<16xi32> to vector<16xi32>
    %swap3A_1227 = vector.shape_cast %add3A_1223 : vector<16xi32> to vector<16xi32>
    tpu.vector_store %arg6[%swap3A_1224], %swap3A_1227 {strides = array<i32>} : memref<512xi32, #tpu.memory_space<vmem>>, vector<16xi32>,
    %add3A_1228 = arith.constant 384 : i32
    %add3A_1229 = arith.addi %select_n3A_32, %add3A_1228 : i32
    %add3A_1230 = arith.constant 80 : i32
    %add3A_1231 = arith.addi %add3A_1229, %add3A_1230 : i32
    %get3A_1232 = arith.constant 464 : index
    %get3A_1233 = tpu.vector_load %arg5[%get3A_1232] {strides = array<i32>} : memref<512xi32, #tpu.memory_space<vmem>>, vector<16xi32>,
    %get3A_1234 = vector.shape_cast %get3A_1233 : vector<16xi32> to vector<16xi32>
    %mul3A_1235 = arith.constant 8192 : i32
    %mul3A_1236 = arith.muli %select_n3A, %mul3A_1235 : i32
    %add3A_1237 = vector.broadcast %mul3A_1236 : i32 to vector<16xi32>
    %add3A_1238 = arith.addi %get3A_1234, %add3A_1237 : vector<16xi32>
    %shift_right_arithmetic3A_1239 = arith.constant 3 : i32
    %shift_right_arithmetic3A_1240 = vector.broadcast %shift_right_arithmetic3A_1239 : i32 to vector<16xi32>
    %shift_right_arithmetic3A_1241 = arith.shrsi %add3A_1238, %shift_right_arithmetic3A_1240 : vector<16xi32>
    %mul3A_1242 = arith.constant 32768 : i32
    %mul3A_1243 = vector.broadcast %mul3A_1242 : i32 to vector<16xi32>
    %mul3A_1244 = arith.muli %shift_right_arithmetic3A_1241, %mul3A_1243 : vector<16xi32>
    %and3A_1245 = arith.constant 7 : i32
    %and3A_1246 = vector.broadcast %and3A_1245 : i32 to vector<16xi32>
    %and3A_1247 = arith.andi %add3A_1238, %and3A_1246 : vector<16xi32>
    %mul3A_1248 = arith.constant 128 : i32
    %mul3A_1249 = vector.broadcast %mul3A_1248 : i32 to vector<16xi32>
    %mul3A_1250 = arith.muli %and3A_1247, %mul3A_1249 : vector<16xi32>
    %add3A_1251 = arith.addi %mul3A_1244, %mul3A_1250 : vector<16xi32>
    %shift_right_arithmetic3A_1252 = arith.constant 7 : i32
    %shift_right_arithmetic3A_1253 = arith.shrsi %add3A_1231, %shift_right_arithmetic3A_1252 : i32
    %mul3A_1254 = arith.constant 1024 : i32
    %mul3A_1255 = arith.muli %shift_right_arithmetic3A_1253, %mul3A_1254 : i32
    %and3A_1256 = arith.constant 127 : i32
    %and3A_1257 = arith.andi %add3A_1231, %and3A_1256 : i32
    %add3A_1258 = arith.addi %mul3A_1255, %and3A_1257 : i32
    %add3A_1259 = vector.broadcast %add3A_1258 : i32 to vector<16xi32>
    %add3A_1260 = arith.addi %add3A_1251, %add3A_1259 : vector<16xi32>
    %add3A_1261 = arith.addi %add3A_1260, %iota3A : vector<16xi32>
    %swap3A_1262 = arith.constant 464 : index
    %swap3A_1263 = tpu.vector_load %arg6[%swap3A_1262] {strides = array<i32>} : memref<512xi32, #tpu.memory_space<vmem>>, vector<16xi32>,
    %swap3A_1264 = vector.shape_cast %swap3A_1263 : vector<16xi32> to vector<16xi32>
    %swap3A_1265 = vector.shape_cast %add3A_1261 : vector<16xi32> to vector<16xi32>
    tpu.vector_store %arg6[%swap3A_1262], %swap3A_1265 {strides = array<i32>} : memref<512xi32, #tpu.memory_space<vmem>>, vector<16xi32>,
    %add3A_1266 = arith.constant 384 : i32
    %add3A_1267 = arith.addi %select_n3A_32, %add3A_1266 : i32
    %add3A_1268 = arith.constant 96 : i32
    %add3A_1269 = arith.addi %add3A_1267, %add3A_1268 : i32
    %get3A_1270 = arith.constant 480 : index
    %get3A_1271 = tpu.vector_load %arg5[%get3A_1270] {strides = array<i32>} : memref<512xi32, #tpu.memory_space<vmem>>, vector<16xi32>,
    %get3A_1272 = vector.shape_cast %get3A_1271 : vector<16xi32> to vector<16xi32>
    %mul3A_1273 = arith.constant 8192 : i32
    %mul3A_1274 = arith.muli %select_n3A, %mul3A_1273 : i32
    %add3A_1275 = vector.broadcast %mul3A_1274 : i32 to vector<16xi32>
    %add3A_1276 = arith.addi %get3A_1272, %add3A_1275 : vector<16xi32>
    %shift_right_arithmetic3A_1277 = arith.constant 3 : i32
    %shift_right_arithmetic3A_1278 = vector.broadcast %shift_right_arithmetic3A_1277 : i32 to vector<16xi32>
    %shift_right_arithmetic3A_1279 = arith.shrsi %add3A_1276, %shift_right_arithmetic3A_1278 : vector<16xi32>
    %mul3A_1280 = arith.constant 32768 : i32
    %mul3A_1281 = vector.broadcast %mul3A_1280 : i32 to vector<16xi32>
    %mul3A_1282 = arith.muli %shift_right_arithmetic3A_1279, %mul3A_1281 : vector<16xi32>
    %and3A_1283 = arith.constant 7 : i32
    %and3A_1284 = vector.broadcast %and3A_1283 : i32 to vector<16xi32>
    %and3A_1285 = arith.andi %add3A_1276, %and3A_1284 : vector<16xi32>
    %mul3A_1286 = arith.constant 128 : i32
    %mul3A_1287 = vector.broadcast %mul3A_1286 : i32 to vector<16xi32>
    %mul3A_1288 = arith.muli %and3A_1285, %mul3A_1287 : vector<16xi32>
    %add3A_1289 = arith.addi %mul3A_1282, %mul3A_1288 : vector<16xi32>
    %shift_right_arithmetic3A_1290 = arith.constant 7 : i32
    %shift_right_arithmetic3A_1291 = arith.shrsi %add3A_1269, %shift_right_arithmetic3A_1290 : i32
    %mul3A_1292 = arith.constant 1024 : i32
    %mul3A_1293 = arith.muli %shift_right_arithmetic3A_1291, %mul3A_1292 : i32
    %and3A_1294 = arith.constant 127 : i32
    %and3A_1295 = arith.andi %add3A_1269, %and3A_1294 : i32
    %add3A_1296 = arith.addi %mul3A_1293, %and3A_1295 : i32
    %add3A_1297 = vector.broadcast %add3A_1296 : i32 to vector<16xi32>
    %add3A_1298 = arith.addi %add3A_1289, %add3A_1297 : vector<16xi32>
    %add3A_1299 = arith.addi %add3A_1298, %iota3A : vector<16xi32>
    %swap3A_1300 = arith.constant 480 : index
    %swap3A_1301 = tpu.vector_load %arg6[%swap3A_1300] {strides = array<i32>} : memref<512xi32, #tpu.memory_space<vmem>>, vector<16xi32>,
    %swap3A_1302 = vector.shape_cast %swap3A_1301 : vector<16xi32> to vector<16xi32>
    %swap3A_1303 = vector.shape_cast %add3A_1299 : vector<16xi32> to vector<16xi32>
    tpu.vector_store %arg6[%swap3A_1300], %swap3A_1303 {strides = array<i32>} : memref<512xi32, #tpu.memory_space<vmem>>, vector<16xi32>,
    %add3A_1304 = arith.constant 384 : i32
    %add3A_1305 = arith.addi %select_n3A_32, %add3A_1304 : i32
    %add3A_1306 = arith.constant 112 : i32
    %add3A_1307 = arith.addi %add3A_1305, %add3A_1306 : i32
    %get3A_1308 = arith.constant 496 : index
    %get3A_1309 = tpu.vector_load %arg5[%get3A_1308] {strides = array<i32>} : memref<512xi32, #tpu.memory_space<vmem>>, vector<16xi32>,
    %get3A_1310 = vector.shape_cast %get3A_1309 : vector<16xi32> to vector<16xi32>
    %mul3A_1311 = arith.constant 8192 : i32
    %mul3A_1312 = arith.muli %select_n3A, %mul3A_1311 : i32
    %add3A_1313 = vector.broadcast %mul3A_1312 : i32 to vector<16xi32>
    %add3A_1314 = arith.addi %get3A_1310, %add3A_1313 : vector<16xi32>
    %shift_right_arithmetic3A_1315 = arith.constant 3 : i32
    %shift_right_arithmetic3A_1316 = vector.broadcast %shift_right_arithmetic3A_1315 : i32 to vector<16xi32>
    %shift_right_arithmetic3A_1317 = arith.shrsi %add3A_1314, %shift_right_arithmetic3A_1316 : vector<16xi32>
    %mul3A_1318 = arith.constant 32768 : i32
    %mul3A_1319 = vector.broadcast %mul3A_1318 : i32 to vector<16xi32>
    %mul3A_1320 = arith.muli %shift_right_arithmetic3A_1317, %mul3A_1319 : vector<16xi32>
    %and3A_1321 = arith.constant 7 : i32
    %and3A_1322 = vector.broadcast %and3A_1321 : i32 to vector<16xi32>
    %and3A_1323 = arith.andi %add3A_1314, %and3A_1322 : vector<16xi32>
    %mul3A_1324 = arith.constant 128 : i32
    %mul3A_1325 = vector.broadcast %mul3A_1324 : i32 to vector<16xi32>
    %mul3A_1326 = arith.muli %and3A_1323, %mul3A_1325 : vector<16xi32>
    %add3A_1327 = arith.addi %mul3A_1320, %mul3A_1326 : vector<16xi32>
    %shift_right_arithmetic3A_1328 = arith.constant 7 : i32
    %shift_right_arithmetic3A_1329 = arith.shrsi %add3A_1307, %shift_right_arithmetic3A_1328 : i32
    %mul3A_1330 = arith.constant 1024 : i32
    %mul3A_1331 = arith.muli %shift_right_arithmetic3A_1329, %mul3A_1330 : i32
    %and3A_1332 = arith.constant 127 : i32
    %and3A_1333 = arith.andi %add3A_1307, %and3A_1332 : i32
    %add3A_1334 = arith.addi %mul3A_1331, %and3A_1333 : i32
    %add3A_1335 = vector.broadcast %add3A_1334 : i32 to vector<16xi32>
    %add3A_1336 = arith.addi %add3A_1327, %add3A_1335 : vector<16xi32>
    %add3A_1337 = arith.addi %add3A_1336, %iota3A : vector<16xi32>
    %swap3A_1338 = arith.constant 496 : index
    %swap3A_1339 = tpu.vector_load %arg6[%swap3A_1338] {strides = array<i32>} : memref<512xi32, #tpu.memory_space<vmem>>, vector<16xi32>,
    %swap3A_1340 = vector.shape_cast %swap3A_1339 : vector<16xi32> to vector<16xi32>
    %swap3A_1341 = vector.shape_cast %add3A_1337 : vector<16xi32> to vector<16xi32>
    tpu.vector_store %arg6[%swap3A_1338], %swap3A_1341 {strides = array<i32>} : memref<512xi32, #tpu.memory_space<vmem>>, vector<16xi32>,
    %dma_start3A_1342 = arith.constant 384 : i32
    %dma_start3A_1343 = tpu.memref_slice %arg7[%dma_start3A_1342] : memref<512xf32, #tpu.memory_space<vmem>> -> memref<128xf32, #tpu.memory_space<vmem>>
    %dma_start3A_1344 = arith.constant 384 : i32
    %dma_start3A_1345 = tpu.memref_slice %arg6[%dma_start3A_1344] : memref<512xi32, #tpu.memory_space<vmem>> -> memref<128xi32, #tpu.memory_space<vmem>>
    %dma_start3A_1346 = arith.constant 0 : i32
    %dma_start3A_1347 = tpu.memref_slice %arg2[%dma_start3A_1346] : memref<134217728xf32, #tpu.memory_space<hbm>> -> memref<134217728xf32, #tpu.memory_space<hbm>>
    tpu.enqueue_indirect_dma source(%dma_start3A_1347 : memref<134217728xf32, #tpu.memory_space<hbm>>) target(%dma_start3A_1343 : memref<128xf32, #tpu.memory_space<vmem>>) offsets(%dma_start3A_1345 : memref<128xi32, #tpu.memory_space<vmem>>) semaphore(%arg9 : memref<!tpu.dma_semaphore, #tpu.memory_space<semaphore_mem>>)
    %dma_wait3A_1348 = arith.constant 0 : i32
    %dma_wait3A_1349 = tpu.memref_slice %arg7[%dma_wait3A_1348] : memref<512xf32, #tpu.memory_space<vmem>> -> memref<128xf32, #tpu.memory_space<vmem>>
    %dma_wait3A_1350 = arith.constant 0 : i32
    %dma_wait3A_1351 = tpu.memref_slice %arg6[%dma_wait3A_1350] : memref<512xi32, #tpu.memory_space<vmem>> -> memref<128xi32, #tpu.memory_space<vmem>>
    %dma_wait3A_1352 = arith.constant 0 : i32
    %dma_wait3A_1353 = tpu.memref_slice %arg2[%dma_wait3A_1352] : memref<134217728xf32, #tpu.memory_space<hbm>> -> memref<134217728xf32, #tpu.memory_space<hbm>>
    tpu.wait_indirect_dma semaphore(%arg9 : memref<!tpu.dma_semaphore, #tpu.memory_space<semaphore_mem>>) src(%dma_wait3A_1353 : memref<134217728xf32, #tpu.memory_space<hbm>>) dst(%dma_wait3A_1349 : memref<128xf32, #tpu.memory_space<vmem>>)
    %add3A_1354 = arith.constant 0 : i32
    %add3A_1355 = arith.addi %select_n3A_32, %add3A_1354 : i32
    %dma_start3A_1356 = arith.constant 0 : i32
    %dma_start3A_1357 = arith.constant 0 : i32
    %dma_start3A_1358 = tpu.memref_slice %arg7[%dma_start3A_1357] : memref<512xf32, #tpu.memory_space<vmem>> -> memref<128xf32, #tpu.memory_space<vmem>>
    %dma_start3A_1359 = tpu.memref_slice %arg4[%select_n3A, %dma_start3A_1356, %add3A_1355] : memref<4x1x4096xf32, #tpu.memory_space<hbm>> -> memref<1x1x128xf32, #tpu.memory_space<hbm>>
    %dma_start3A_1360 = tpu.memref_squeeze %dma_start3A_1359 : memref<1x1x128xf32, #tpu.memory_space<hbm>> -> memref<128xf32, #tpu.memory_space<hbm>>
    %dma_start3A_1361 = tpu.memref_slice %arg4[%select_n3A, %dma_start3A_1356, %add3A_1355] : memref<4x1x4096xf32, #tpu.memory_space<hbm>> -> memref<1x1x128xf32, #tpu.memory_space<hbm>>
    %dma_start3A_1362 = tpu.memref_squeeze %dma_start3A_1361 : memref<1x1x128xf32, #tpu.memory_space<hbm>> -> memref<128xf32, #tpu.memory_space<hbm>>
    %dma_start3A_1363 = arith.constant 0 : i32
    %dma_start3A_1364 = tpu.memref_slice %arg7[%dma_start3A_1363] : memref<512xf32, #tpu.memory_space<vmem>> -> memref<128xf32, #tpu.memory_space<vmem>>
    tpu.enqueue_dma source(%dma_start3A_1364 : memref<128xf32, #tpu.memory_space<vmem>>) target(%dma_start3A_1362 : memref<128xf32, #tpu.memory_space<hbm>>) target_semaphore(%arg10 : memref<!tpu.dma_semaphore, #tpu.memory_space<semaphore_mem>>)
    %dma_wait3A_1365 = arith.constant 128 : i32
    %dma_wait3A_1366 = tpu.memref_slice %arg7[%dma_wait3A_1365] : memref<512xf32, #tpu.memory_space<vmem>> -> memref<128xf32, #tpu.memory_space<vmem>>
    %dma_wait3A_1367 = arith.constant 128 : i32
    %dma_wait3A_1368 = tpu.memref_slice %arg6[%dma_wait3A_1367] : memref<512xi32, #tpu.memory_space<vmem>> -> memref<128xi32, #tpu.memory_space<vmem>>
    %dma_wait3A_1369 = arith.constant 0 : i32
    %dma_wait3A_1370 = tpu.memref_slice %arg2[%dma_wait3A_1369] : memref<134217728xf32, #tpu.memory_space<hbm>> -> memref<134217728xf32, #tpu.memory_space<hbm>>
    tpu.wait_indirect_dma semaphore(%arg9 : memref<!tpu.dma_semaphore, #tpu.memory_space<semaphore_mem>>) src(%dma_wait3A_1370 : memref<134217728xf32, #tpu.memory_space<hbm>>) dst(%dma_wait3A_1366 : memref<128xf32, #tpu.memory_space<vmem>>)
    %add3A_1371 = arith.constant 128 : i32
    %add3A_1372 = arith.addi %select_n3A_32, %add3A_1371 : i32
    %dma_start3A_1373 = arith.constant 0 : i32
    %dma_start3A_1374 = arith.constant 128 : i32
    %dma_start3A_1375 = tpu.memref_slice %arg7[%dma_start3A_1374] : memref<512xf32, #tpu.memory_space<vmem>> -> memref<128xf32, #tpu.memory_space<vmem>>
    %dma_start3A_1376 = tpu.memref_slice %arg4[%select_n3A, %dma_start3A_1373, %add3A_1372] : memref<4x1x4096xf32, #tpu.memory_space<hbm>> -> memref<1x1x128xf32, #tpu.memory_space<hbm>>
    %dma_start3A_1377 = tpu.memref_squeeze %dma_start3A_1376 : memref<1x1x128xf32, #tpu.memory_space<hbm>> -> memref<128xf32, #tpu.memory_space<hbm>>
    %dma_start3A_1378 = tpu.memref_slice %arg4[%select_n3A, %dma_start3A_1373, %add3A_1372] : memref<4x1x4096xf32, #tpu.memory_space<hbm>> -> memref<1x1x128xf32, #tpu.memory_space<hbm>>
    %dma_start3A_1379 = tpu.memref_squeeze %dma_start3A_1378 : memref<1x1x128xf32, #tpu.memory_space<hbm>> -> memref<128xf32, #tpu.memory_space<hbm>>
    %dma_start3A_1380 = arith.constant 128 : i32
    %dma_start3A_1381 = tpu.memref_slice %arg7[%dma_start3A_1380] : memref<512xf32, #tpu.memory_space<vmem>> -> memref<128xf32, #tpu.memory_space<vmem>>
    tpu.enqueue_dma source(%dma_start3A_1381 : memref<128xf32, #tpu.memory_space<vmem>>) target(%dma_start3A_1379 : memref<128xf32, #tpu.memory_space<hbm>>) target_semaphore(%arg10 : memref<!tpu.dma_semaphore, #tpu.memory_space<semaphore_mem>>)
    %dma_wait3A_1382 = arith.constant 256 : i32
    %dma_wait3A_1383 = tpu.memref_slice %arg7[%dma_wait3A_1382] : memref<512xf32, #tpu.memory_space<vmem>> -> memref<128xf32, #tpu.memory_space<vmem>>
    %dma_wait3A_1384 = arith.constant 256 : i32
    %dma_wait3A_1385 = tpu.memref_slice %arg6[%dma_wait3A_1384] : memref<512xi32, #tpu.memory_space<vmem>> -> memref<128xi32, #tpu.memory_space<vmem>>
    %dma_wait3A_1386 = arith.constant 0 : i32
    %dma_wait3A_1387 = tpu.memref_slice %arg2[%dma_wait3A_1386] : memref<134217728xf32, #tpu.memory_space<hbm>> -> memref<134217728xf32, #tpu.memory_space<hbm>>
    tpu.wait_indirect_dma semaphore(%arg9 : memref<!tpu.dma_semaphore, #tpu.memory_space<semaphore_mem>>) src(%dma_wait3A_1387 : memref<134217728xf32, #tpu.memory_space<hbm>>) dst(%dma_wait3A_1383 : memref<128xf32, #tpu.memory_space<vmem>>)
    %add3A_1388 = arith.constant 256 : i32
    %add3A_1389 = arith.addi %select_n3A_32, %add3A_1388 : i32
    %dma_start3A_1390 = arith.constant 0 : i32
    %dma_start3A_1391 = arith.constant 256 : i32
    %dma_start3A_1392 = tpu.memref_slice %arg7[%dma_start3A_1391] : memref<512xf32, #tpu.memory_space<vmem>> -> memref<128xf32, #tpu.memory_space<vmem>>
    %dma_start3A_1393 = tpu.memref_slice %arg4[%select_n3A, %dma_start3A_1390, %add3A_1389] : memref<4x1x4096xf32, #tpu.memory_space<hbm>> -> memref<1x1x128xf32, #tpu.memory_space<hbm>>
    %dma_start3A_1394 = tpu.memref_squeeze %dma_start3A_1393 : memref<1x1x128xf32, #tpu.memory_space<hbm>> -> memref<128xf32, #tpu.memory_space<hbm>>
    %dma_start3A_1395 = tpu.memref_slice %arg4[%select_n3A, %dma_start3A_1390, %add3A_1389] : memref<4x1x4096xf32, #tpu.memory_space<hbm>> -> memref<1x1x128xf32, #tpu.memory_space<hbm>>
    %dma_start3A_1396 = tpu.memref_squeeze %dma_start3A_1395 : memref<1x1x128xf32, #tpu.memory_space<hbm>> -> memref<128xf32, #tpu.memory_space<hbm>>
    %dma_start3A_1397 = arith.constant 256 : i32
    %dma_start3A_1398 = tpu.memref_slice %arg7[%dma_start3A_1397] : memref<512xf32, #tpu.memory_space<vmem>> -> memref<128xf32, #tpu.memory_space<vmem>>
    tpu.enqueue_dma source(%dma_start3A_1398 : memref<128xf32, #tpu.memory_space<vmem>>) target(%dma_start3A_1396 : memref<128xf32, #tpu.memory_space<hbm>>) target_semaphore(%arg10 : memref<!tpu.dma_semaphore, #tpu.memory_space<semaphore_mem>>)
    %dma_wait3A_1399 = arith.constant 384 : i32
    %dma_wait3A_1400 = tpu.memref_slice %arg7[%dma_wait3A_1399] : memref<512xf32, #tpu.memory_space<vmem>> -> memref<128xf32, #tpu.memory_space<vmem>>
    %dma_wait3A_1401 = arith.constant 384 : i32
    %dma_wait3A_1402 = tpu.memref_slice %arg6[%dma_wait3A_1401] : memref<512xi32, #tpu.memory_space<vmem>> -> memref<128xi32, #tpu.memory_space<vmem>>
    %dma_wait3A_1403 = arith.constant 0 : i32
    %dma_wait3A_1404 = tpu.memref_slice %arg2[%dma_wait3A_1403] : memref<134217728xf32, #tpu.memory_space<hbm>> -> memref<134217728xf32, #tpu.memory_space<hbm>>
    tpu.wait_indirect_dma semaphore(%arg9 : memref<!tpu.dma_semaphore, #tpu.memory_space<semaphore_mem>>) src(%dma_wait3A_1404 : memref<134217728xf32, #tpu.memory_space<hbm>>) dst(%dma_wait3A_1400 : memref<128xf32, #tpu.memory_space<vmem>>)
    %add3A_1405 = arith.constant 384 : i32
    %add3A_1406 = arith.addi %select_n3A_32, %add3A_1405 : i32
    %dma_start3A_1407 = arith.constant 0 : i32
    %dma_start3A_1408 = arith.constant 384 : i32
    %dma_start3A_1409 = tpu.memref_slice %arg7[%dma_start3A_1408] : memref<512xf32, #tpu.memory_space<vmem>> -> memref<128xf32, #tpu.memory_space<vmem>>
    %dma_start3A_1410 = tpu.memref_slice %arg4[%select_n3A, %dma_start3A_1407, %add3A_1406] : memref<4x1x4096xf32, #tpu.memory_space<hbm>> -> memref<1x1x128xf32, #tpu.memory_space<hbm>>
    %dma_start3A_1411 = tpu.memref_squeeze %dma_start3A_1410 : memref<1x1x128xf32, #tpu.memory_space<hbm>> -> memref<128xf32, #tpu.memory_space<hbm>>
    %dma_start3A_1412 = tpu.memref_slice %arg4[%select_n3A, %dma_start3A_1407, %add3A_1406] : memref<4x1x4096xf32, #tpu.memory_space<hbm>> -> memref<1x1x128xf32, #tpu.memory_space<hbm>>
    %dma_start3A_1413 = tpu.memref_squeeze %dma_start3A_1412 : memref<1x1x128xf32, #tpu.memory_space<hbm>> -> memref<128xf32, #tpu.memory_space<hbm>>
    %dma_start3A_1414 = arith.constant 384 : i32
    %dma_start3A_1415 = tpu.memref_slice %arg7[%dma_start3A_1414] : memref<512xf32, #tpu.memory_space<vmem>> -> memref<128xf32, #tpu.memory_space<vmem>>
    tpu.enqueue_dma source(%dma_start3A_1415 : memref<128xf32, #tpu.memory_space<vmem>>) target(%dma_start3A_1413 : memref<128xf32, #tpu.memory_space<hbm>>) target_semaphore(%arg10 : memref<!tpu.dma_semaphore, #tpu.memory_space<semaphore_mem>>)
    %dma_wait3A_1416 = arith.constant 0 : i32
    %dma_wait3A_1417 = arith.constant 0 : i32
    %dma_wait3A_1418 = tpu.memref_slice %arg7[%dma_wait3A_1417] : memref<512xf32, #tpu.memory_space<vmem>> -> memref<128xf32, #tpu.memory_space<vmem>>
    %dma_wait3A_1419 = tpu.memref_slice %arg4[%select_n3A, %dma_wait3A_1416, %add3A_1355] : memref<4x1x4096xf32, #tpu.memory_space<hbm>> -> memref<1x1x128xf32, #tpu.memory_space<hbm>>
    %dma_wait3A_1420 = tpu.memref_squeeze %dma_wait3A_1419 : memref<1x1x128xf32, #tpu.memory_space<hbm>> -> memref<128xf32, #tpu.memory_space<hbm>>
    %dma_wait3A_1421 = tpu.memref_slice %arg4[%select_n3A, %dma_wait3A_1416, %add3A_1355] : memref<4x1x4096xf32, #tpu.memory_space<hbm>> -> memref<1x1x128xf32, #tpu.memory_space<hbm>>
    %dma_wait3A_1422 = tpu.memref_squeeze %dma_wait3A_1421 : memref<1x1x128xf32, #tpu.memory_space<hbm>> -> memref<128xf32, #tpu.memory_space<hbm>>
    %dma_wait3A_1423 = arith.constant 0 : i32
    %dma_wait3A_1424 = tpu.memref_slice %arg7[%dma_wait3A_1423] : memref<512xf32, #tpu.memory_space<vmem>> -> memref<128xf32, #tpu.memory_space<vmem>>
    tpu.wait_dma2 semaphore(%arg10 : memref<!tpu.dma_semaphore, #tpu.memory_space<semaphore_mem>>) src(%dma_wait3A_1424 : memref<128xf32, #tpu.memory_space<vmem>>) dst(%dma_wait3A_1422 : memref<128xf32, #tpu.memory_space<hbm>>)
    %dma_wait3A_1425 = arith.constant 0 : i32
    %dma_wait3A_1426 = arith.constant 128 : i32
    %dma_wait3A_1427 = tpu.memref_slice %arg7[%dma_wait3A_1426] : memref<512xf32, #tpu.memory_space<vmem>> -> memref<128xf32, #tpu.memory_space<vmem>>
    %dma_wait3A_1428 = tpu.memref_slice %arg4[%select_n3A, %dma_wait3A_1425, %add3A_1372] : memref<4x1x4096xf32, #tpu.memory_space<hbm>> -> memref<1x1x128xf32, #tpu.memory_space<hbm>>
    %dma_wait3A_1429 = tpu.memref_squeeze %dma_wait3A_1428 : memref<1x1x128xf32, #tpu.memory_space<hbm>> -> memref<128xf32, #tpu.memory_space<hbm>>
    %dma_wait3A_1430 = tpu.memref_slice %arg4[%select_n3A, %dma_wait3A_1425, %add3A_1372] : memref<4x1x4096xf32, #tpu.memory_space<hbm>> -> memref<1x1x128xf32, #tpu.memory_space<hbm>>
    %dma_wait3A_1431 = tpu.memref_squeeze %dma_wait3A_1430 : memref<1x1x128xf32, #tpu.memory_space<hbm>> -> memref<128xf32, #tpu.memory_space<hbm>>
    %dma_wait3A_1432 = arith.constant 128 : i32
    %dma_wait3A_1433 = tpu.memref_slice %arg7[%dma_wait3A_1432] : memref<512xf32, #tpu.memory_space<vmem>> -> memref<128xf32, #tpu.memory_space<vmem>>
    tpu.wait_dma2 semaphore(%arg10 : memref<!tpu.dma_semaphore, #tpu.memory_space<semaphore_mem>>) src(%dma_wait3A_1433 : memref<128xf32, #tpu.memory_space<vmem>>) dst(%dma_wait3A_1431 : memref<128xf32, #tpu.memory_space<hbm>>)
    %dma_wait3A_1434 = arith.constant 0 : i32
    %dma_wait3A_1435 = arith.constant 256 : i32
    %dma_wait3A_1436 = tpu.memref_slice %arg7[%dma_wait3A_1435] : memref<512xf32, #tpu.memory_space<vmem>> -> memref<128xf32, #tpu.memory_space<vmem>>
    %dma_wait3A_1437 = tpu.memref_slice %arg4[%select_n3A, %dma_wait3A_1434, %add3A_1389] : memref<4x1x4096xf32, #tpu.memory_space<hbm>> -> memref<1x1x128xf32, #tpu.memory_space<hbm>>
    %dma_wait3A_1438 = tpu.memref_squeeze %dma_wait3A_1437 : memref<1x1x128xf32, #tpu.memory_space<hbm>> -> memref<128xf32, #tpu.memory_space<hbm>>
    %dma_wait3A_1439 = tpu.memref_slice %arg4[%select_n3A, %dma_wait3A_1434, %add3A_1389] : memref<4x1x4096xf32, #tpu.memory_space<hbm>> -> memref<1x1x128xf32, #tpu.memory_space<hbm>>
    %dma_wait3A_1440 = tpu.memref_squeeze %dma_wait3A_1439 : memref<1x1x128xf32, #tpu.memory_space<hbm>> -> memref<128xf32, #tpu.memory_space<hbm>>
    %dma_wait3A_1441 = arith.constant 256 : i32
    %dma_wait3A_1442 = tpu.memref_slice %arg7[%dma_wait3A_1441] : memref<512xf32, #tpu.memory_space<vmem>> -> memref<128xf32, #tpu.memory_space<vmem>>
    tpu.wait_dma2 semaphore(%arg10 : memref<!tpu.dma_semaphore, #tpu.memory_space<semaphore_mem>>) src(%dma_wait3A_1442 : memref<128xf32, #tpu.memory_space<vmem>>) dst(%dma_wait3A_1440 : memref<128xf32, #tpu.memory_space<hbm>>)
    %dma_wait3A_1443 = arith.constant 0 : i32
    %dma_wait3A_1444 = arith.constant 384 : i32
    %dma_wait3A_1445 = tpu.memref_slice %arg7[%dma_wait3A_1444] : memref<512xf32, #tpu.memory_space<vmem>> -> memref<128xf32, #tpu.memory_space<vmem>>
    %dma_wait3A_1446 = tpu.memref_slice %arg4[%select_n3A, %dma_wait3A_1443, %add3A_1406] : memref<4x1x4096xf32, #tpu.memory_space<hbm>> -> memref<1x1x128xf32, #tpu.memory_space<hbm>>
    %dma_wait3A_1447 = tpu.memref_squeeze %dma_wait3A_1446 : memref<1x1x128xf32, #tpu.memory_space<hbm>> -> memref<128xf32, #tpu.memory_space<hbm>>
    %dma_wait3A_1448 = tpu.memref_slice %arg4[%select_n3A, %dma_wait3A_1443, %add3A_1406] : memref<4x1x4096xf32, #tpu.memory_space<hbm>> -> memref<1x1x128xf32, #tpu.memory_space<hbm>>
    %dma_wait3A_1449 = tpu.memref_squeeze %dma_wait3A_1448 : memref<1x1x128xf32, #tpu.memory_space<hbm>> -> memref<128xf32, #tpu.memory_space<hbm>>
    %dma_wait3A_1450 = arith.constant 384 : i32
    %dma_wait3A_1451 = tpu.memref_slice %arg7[%dma_wait3A_1450] : memref<512xf32, #tpu.memory_space<vmem>> -> memref<128xf32, #tpu.memory_space<vmem>>
    tpu.wait_dma2 semaphore(%arg10 : memref<!tpu.dma_semaphore, #tpu.memory_space<semaphore_mem>>) src(%dma_wait3A_1451 : memref<128xf32, #tpu.memory_space<vmem>>) dst(%dma_wait3A_1449 : memref<128xf32, #tpu.memory_space<hbm>>)
    return
  }
}

</mosaic_0001>

<sc_bundles>
// kernel: kernel.3.cloned.1.call-start
scs
__scs_entry_jumppad:
0x0: {  	(pc) =	sbr.rel $0x88, $3  }
0x1: {  	(tag) =	ssettag $0x0;
	lr =	simm.s32 $0x1  }
0x2: {  	[smem:$0x3F9F] =	sst lr;
	_ =	strace $0xD0000000  }
0x3: {  	_ = 	snop  }
0x4: {  	_ = 	snop  }
0x5: {  	_ = 	snop  }
0x6: {  	_ = 	snop  }
0x7: {  	_ = 	snop  }
__scs_overlays_trampoline_lowered:
0x8: {  	[smem:$0x3FAE] =	sst s0  }
0x9: {  	[smem:$0x3FAF] =	sst s1  }
0xa: {  	[smem:$0x3FB0] =	sst s2  }
0xb: {  	[smem:$0x3FB1] =	sst s3  }
0xc: {  	[smem:$0x3FB2] =	sst s4  }
0xd: {  	[smem:$0x3FB3] =	sst s5  }
0xe: {  	[smem:$0x3FB4] =	sst s6  }
0xf: {  	[smem:$0x3FB5] =	sst s7  }
0x10: {  	[smem:$0x3FB6] =	sst s8  }
0x11: {  	[smem:$0x3FB7] =	sst s9;
	s0 =	simm.s32 @!p0 $0x0  }
0x12: {  	s1 =	sld [smem:$0x3F9D];
	s0 =	simm.s32 @p0 $0x1  }
0x13: {  	[smem:$0x3FB8] =	sst s0;
	s0 =	simm.s32 @!p1 $0x0  }
0x14: {  	s2 =	sld [smem:$0x3F9C];
	s0 =	simm.s32 @p1 $0x1  }
0x15: {  	[smem:$0x3FB9] =	sst s0;
	s0 =	simm.s32 @!p2 $0x0  }
0x16: {  	s3 =	sld [smem:$0x3FDB];
	s0 =	simm.s32 @p2 $0x1  }
0x17: {  	s4 =	simm.s32 $0x1BF5;
	[smem:$0x3FBB] =	sst s0  }
0x18: {  	s0 =	sld [smem:$0x3F9E];
	_ =	swait.ge [sflag:s4], $0x0  }
0x19: {  	s7 =	sld [smem:$0x3F9F]  }
0x1a: {  	s8 =	sadd.s32 $0xFFFFE003, lr  }
0x1b: {  	s9 =	sadd.s32 $0xFFFFFEF7, lr;
	s5 =	simm.s32 $0xFFFFFFFF;
	p2 =	slt.u32 s8, $0xFFFFF086  }
0x1c: {  	p1 =	slt.u32 s9, $0xF7A;
	s5 =	simm.s32 @!p2 $0x0  }
0x1d: {  	s5 =	simm.s32 @p1 $0x1;
	p0 =	seq.s32 s7, s2  }
0x1e: {  	s7 =	smul.u32 @!p0 $0xF7A, s2;
	p2 =	seq.s32 @!p0 s5, $0x0  }
0x1f: {  	s9 =	smul.u32 $0xF7A, s1;
	s8 =	simm.s32 @!p0 $0x1BF5;
	p2 =	por !p2, p0  }
0x20: {  	[sflag:s8] =	ssyncset.s32 @!p0 $0xFFFFF086;
	s6 =	sadd.s32 @!p0 s3, s7;
	s7 =	simm.s32 @!p0 $0x108  }
0x21: {  	s3 =	sadd.s32 s3, s9;
	s6 =	sadd.s32 @!p0 $0x88, s6;
	s7 =	simm.s32 @p2 $0x1082  }
0x22: {  	[simem:s7], [sflag:s8] =	dma.local @!p0 [hbm:s6], $0xF7A  }
0x23: {  	s9 =	sor.u32 $0xD0000000, s2;
	s6 =	simm.s32 $0x108;
	_ =	swait.ge @!p0 [sflag:s8], $0x0  }
0x24: {  	s3 =	sadd.s32 $0x88, s3;
	s6 =	simm.s32 @!p1 $0x1082;
	[sflag:s4] =	ssyncset.s32 $0xFFFFF086  }
0x25: {  	[simem:s6], [sflag:s4] =	dma.local [hbm:s3], $0xF7A  }
0x26: {  	[smem:$0x3F9F] =	sst s1;
	(tag) =	ssettag s2;
	_ =	strace s9  }
0x27: {  	s1 =	sld [smem:$0x3FAF]  }
0x28: {  	s2 =	sld [smem:$0x3FB0]  }
0x29: {  	s4 =	sld [smem:$0x3FB2]  }
0x2a: {  	p0 =	seq.s32 s5, $0x0;
	s5 =	sld [smem:$0x3FB3]  }
0x2b: {  	s6 =	sld [smem:$0x3FB4]  }
0x2c: {  	s7 =	sld [smem:$0x3FB5]  }
0x2d: {  	s3 =	simm.s32 $0x108;
	s8 =	sld [smem:$0x3FB6]  }
0x2e: {  	s3 =	simm.s32 @!p0 $0x1082;
	s9 =	sld [smem:$0x3FB7]  }
0x2f: {  	lr =	sadd.s32 s0, s3;
	s0 =	sld [smem:$0x3FAE]  }
0x30: {  	s3 =	sld [smem:$0x3FB1]  }
0x31: {  	[smem:$0x3FBA] =	sst s10  }
0x32: {  	s10 =	sld [smem:$0x3FB8];
	_ =	sdelay $0x3  }
0x33: {  	p0 =	seq.s32 s10, $0x1;
	s10 =	sld [smem:$0x3FBA];
	_ =	sdelay $0x3  }
0x34: {  	[smem:$0x3FBA] =	sst s10  }
0x35: {  	s10 =	sld [smem:$0x3FB9];
	_ =	sdelay $0x3  }
0x36: {  	p1 =	seq.s32 s10, $0x1;
	s10 =	sld [smem:$0x3FBA];
	_ =	sdelay $0x3  }
0x37: {  	[smem:$0x3FBA] =	sst s10  }
0x38: {  	s10 =	sld [smem:$0x3FBB]  }
0x39: {  	_ = 	snop;
	(pc) =	sbr.ind lr, $3  }
0x3a: {  	_ = 	snop  }
0x3b: {  	_ = 	snop  }
0x3c: {  	p2 =	seq.s32 s10, $0x1;
	s10 =	sld [smem:$0x3FBA]  }
0x3d: {  	_ =	shalt  }
0x3e: {  	_ =	shalt  }
0x3f: {  	_ =	shalt  }
0x40: {  	_ =	shalt  }
0x41: {  	_ =	shalt  }
0x42: {  	_ =	shalt  }
0x43: {  	_ =	shalt  }
0x44: {  	_ =	shalt  }
0x45: {  	_ =	shalt  }
0x46: {  	_ =	shalt  }
0x47: {  	_ =	shalt  }
0x48: {  	_ =	shalt  }
0x49: {  	_ =	shalt  }
0x4a: {  	_ =	shalt  }
0x4b: {  	_ =	shalt  }
0x4c: {  	_ =	shalt  }
0x4d: {  	_ =	shalt  }
0x4e: {  	_ =	shalt  }
0x4f: {  	_ =	shalt  }
0x50: {  	_ =	shalt  }
0x51: {  	_ =	shalt  }
0x52: {  	_ =	shalt  }
0x53: {  	_ =	shalt  }
0x54: {  	_ =	shalt  }
0x55: {  	_ =	shalt  }
0x56: {  	_ =	shalt  }
0x57: {  	_ =	shalt  }
0x58: {  	_ =	shalt  }
0x59: {  	_ =	shalt  }
0x5a: {  	_ =	shalt  }
0x5b: {  	_ =	shalt  }
0x5c: {  	_ =	shalt  }
0x5d: {  	_ =	shalt  }
0x5e: {  	_ =	shalt  }
0x5f: {  	_ =	shalt  }
0x60: {  	_ =	shalt  }
0x61: {  	_ =	shalt  }
0x62: {  	_ =	shalt  }
0x63: {  	_ =	shalt  }
0x64: {  	_ =	shalt  }
0x65: {  	_ =	shalt  }
0x66: {  	_ =	shalt  }
0x67: {  	_ =	shalt  }
0x68: {  	_ =	shalt  }
0x69: {  	_ =	shalt  }
0x6a: {  	_ =	shalt  }
0x6b: {  	_ =	shalt  }
0x6c: {  	_ =	shalt  }
0x6d: {  	_ =	shalt  }
0x6e: {  	_ =	shalt  }
0x6f: {  	_ =	shalt  }
0x70: {  	_ =	shalt  }
0x71: {  	_ =	shalt  }
0x72: {  	_ =	shalt  }
0x73: {  	_ =	shalt  }
0x74: {  	_ =	shalt  }
0x75: {  	_ =	shalt  }
0x76: {  	_ =	shalt  }
0x77: {  	_ =	shalt  }
0x78: {  	_ =	shalt  }
0x79: {  	_ =	shalt  }
0x7a: {  	_ =	shalt  }
0x7b: {  	_ =	shalt  }
0x7c: {  	_ =	shalt  }
0x7d: {  	_ =	shalt  }
0x7e: {  	_ =	shalt  }
0x7f: {  	_ =	shalt  }
0x80: {  	_ =	shalt  }
0x81: {  	_ =	shalt  }
0x82: {  	_ =	shalt  }
0x83: {  	_ =	shalt  }
0x84: {  	_ =	shalt  }
0x85: {  	_ =	shalt  }
0x86: {  	_ =	shalt  }
0x87: {  	_ =	shalt  }
.Lfunc_end0:
.L_simem_size_0:
called_computation_lowered:
.L_overlay_start_0:
0x88: {  	s2 =	sld [smem:$0x3FD9]  }
0x89: {  	s3 =	sld [smem:$0x3FFE];
	_ =	sdelay $0x1  }
0x8a: {  	s1 =	srdreg.scid  }
0x8b: {  	s0 =	sand.u32 $0x1, s1  }
0x8c: {  	s18 =	sshll.u32 s0, $0xA;
	s2 =	sadd.s32 s3, s2  }
0x8d: {  	s2 =	sadd.s32 s2, s18  }
0x8e: {  	[smem:$0x3FC6] =	sst s2  }
0x8f: {  	_ = 	snop  }
0x90: {  	s2 =	sld [smem:$0x3FC9]  }
0x91: {  	s19 =	sld [smem:$0x3FC8]  }
0x92: {  	s4 =	sld [smem:$0x3FD0];
	(tm) =	ssettm $0x1  }
0x93: {  	s5 =	sld [smem:$0x3FFB];
	_ =	sdelay $0x3  }
0x94: {  	_ =	strace s5  }
0x95: {  	s5 =	sld [smem:$0x3FFC];
	_ =	sdelay $0x3  }
0x96: {  	_ =	strace s5  }
0x97: {  	s5 =	sld [smem:$0x3FFD];
	_ =	sdelay $0x3  }
0x98: {  	_ =	strace s5  }
0x99: {  	_ =	strace $0x8FFFFFFF  }
0x9a: {  	s20 =	sld [smem:$0x3FDB];
	_ =	sdelay $0x1  }
0x9b: {  	s6 =	simm.s32 $_scs_section_size  }
0x9c: {  	s7 =	simm.s32 $_size__tile_overlayer_lowered;
	s8 =	simm.s32 $_tile_overlayer_lowered  }
0x9d: {  	s23 =	simm.s32 $0x1BFF;
	s22 =	sshll.u32 s8, $0x1;
	s5 =	sadd.s32 s6, s20  }
0x9e: {  	s9 =	simm.s32 $0x0;
	s21 =	sshll.u32 s7, $0x1;
	s7 =	sadd.s32 s22, s5  }
0x9f: {  	[timem:s9], [sflag:s23] =	dma.local [hbm:s7], s21  }
0xa0: {  	_ =	swait.ge [sflag:s23], s21  }
0xa1: {  	s6 =	ssub.s32 $0x0, s21;
	[sflag:s23] =	ssyncset.done $0x0  }
0xa2: {  	[sflag:s23] =	ssyncadd.s32 s6;
	_ =	sdelay $0x1  }
0xa3: {  	s24 =	simm.s32 $0x1B8B  }
0xa4: {  	_ =	swait.ge [sflag:s24], $0x1  }
0xa5: {  	[sflag:s24] =	ssyncset.done $0x0  }
0xa6: {  	s25 =	simm.s32 $0x1B8E;
	[sflag:s24] =	ssyncadd.s32 $0xFFFFFFFF  }
0xa7: {  	s26 =	simm.s32 $execute0_lowered;
	[smem:$0x3FD2] =	sst s25  }
0xa8: {  	s6 =	sshll.u32 s26, $0x1;
	_ =	strace $0x80000046;
	[dreg:$0x1] =	wrdreg $0xFFFFFFFF  }
0xa9: {  	s28 =	simm.s32 $_size_execute0_lowered;
	s5 =	sadd.s32 s5, s6;
	[dreg:$0x0] =	wrdreg $0x0  }
0xaa: {  	s6 =	sshll.u32 s28, $0x1;
	[dreg:$0x2] =	wrdreg s5  }
0xab: {  	[dreg:$0x3] =	wrdreg s6  }
0xac: {  	[dreg:$0x4] =	wrdreg $0xC0  }
0xad: {  	_ =	task [dreg:s9], $0x5FFFF  }
0xae: {  	[dreg:$0x1] =	wrdreg $0xFFFFFFFF  }
0xaf: {  	[dreg:$0x0] =	wrdreg $0x60  }
0xb0: {  	[dreg:$0x2] =	wrdreg s2  }
0xb1: {  	[dreg:$0x3] =	wrdreg s19  }
0xb2: {  	[dreg:$0x4] =	wrdreg s4  }
0xb3: {  	[dreg:$0x5] =	wrdreg $0x9  }
0xb4: {  	_ =	task.clear_ibuf [dreg:s9], $0x6FFFF;
	_ =	strace $0x90000046  }
0xb5: {  	s29 =	simm.s32 $0x9;
	_ =	strace $0x80000048  }
0xb6: {  	_ =	swait.ge [sflag:s29], $0x1  }
0xb7: {  	[sflag:s29] =	ssyncadd.s32 $0xFFFFFFFF  }
0xb8: {  	_ =	strace $0x90000048  }
0xb9: {  	_ =	sfence  }
0xba: {  	s30 =	sld [smem:$0x0];
	_ =	sdelay $0x2  }
0xbb: {  	s31 =	sshll.u32 s1, $0xD;
	s1 =	sshrl.u32 s1, $0x2  }
0xbc: {  	s3 =	sand.u32 $0x4000, s31;
	s1 =	sadd.s32 s1, s30  }
0xbd: {  	s0 =	sor.u32 s3, s0;
	s1 =	sshll.u32 s1, $0x11  }
0xbe: {  	s0 =	sor.u32 s1, s0  }
0xbf: {  	s0 =	sadd.s32 $0x8F2B, s0  }
0xc0: {  	[sflag:s0] =	ssyncadd.remote.s32 $0x1  }
0xc1: {  	_ =	sfence.sel $0xFFFF  }
0xc2: {  	[dreg:$0x0] =	wrdreg $0xFFFFFFFF;
	(pc) =	sbr.abs _section_cstart, $3  }
0xc3: {  	[dreg:$0x1] =	wrdreg $0xFFFFFFFF  }
0xc4: {  	_ =	task.clear_ibuf [dreg:s9], $0x2FFFF;
	_ =	strace $0x9FFFFFFF  }
0xc5: {  	(tm) =	ssettm $0x7FFFFFFF  }
tec
execute0_lowered:
.L_overlay_start_1:
0x0: {  	(tag) =	ssettag $0x1  }
0x1: {  	s1 =	rddreg [dreg:$0x0]  }
0x2: {  	s7 =	rddreg [dreg:$0x1]  }
0x3: {  	s11 =	rddreg [dreg:$0x2];
	s2 =	srdreg.scid;
	s3 =	simm.s32 $0x0  }
0x4: {  	s0 =	stileid.u32;
	s4 =	sand.u32 $0x1, s2;
	[smem:$0x7FF] =	sst s3  }
0x5: {  	s8 =	sshll.u32 s0, $0xA;
	s18 =	sshll.u32 s0, $0xB;
	s5 =	ssub.s32 $0x2, s4  }
0x6: {  	s4 =	sshll.u32 s4, $0x9;
	_ =	strace $0x80000047;
	s31 =	sand.u32 $0x3000, s8  }
0x7: {  	s18 =	sand.u32 $0x6000, s18;
	s6 =	sshrl.u32 s5, $0x1;
	s4 =	sor.u32 s4, s8  }
0x8: {  	s12 =	ssub.s32 s5, s6;
	s9 =	sand.u32 $0xE00, s4;
	s2 =	sshrl.u32 s4, $0x3  }
0x9: {  	s4 =	sadd.s32 s7, s2;
	s10 =	sor.u32 $0x80, s9;
	s13 =	sor.u32 $0x100, s9  }
0xa: {  	s15 =	sor.u32 $0x180, s9;
	s19 =	sshll.u32 s9, $0x3;
	s8 =	sadd.s32 s11, s2  }
0xb: {  	s12 =	smax.u32 s12, $0x1;
	s16 =	sor.u32 s31, s10;
	s14 =	sor.u32 s31, s13  }
0xc: {  	s17 =	sor.u32 s31, s15;
	s20 =	sor.u32 $0x10, s19;
	s21 =	sor.u32 $0x20, s19  }
0xd: {  	s22 =	sor.u32 $0x30, s19;
	s23 =	sor.u32 $0x40, s19;
	s24 =	sor.u32 $0x50, s19  }
0xe: {  	s25 =	sor.u32 $0x60, s19;
	s26 =	sor.u32 $0x70, s19;
	s28 =	sshll.u32 s10, $0x3  }
0xf: {  	s13 =	sshll.u32 s13, $0x3;
	s31 =	sor.u32 $0x420, s19;
	s0 =	sor.u32 $0x430, s19  }
0x10: {  	s29 =	sor.u32 $0x440, s19;
	s30 =	sor.u32 $0x450, s19;
	s2 =	sor.u32 $0x460, s19  }
0x11: {  	v32 =	vlaneseq.u32;
	v0 =	vmov s18;
	s18 =	sor.u32 $0xC50, s19;
	s16 =	sshrl.u32 s16, $0x3;
	s14 =	sshrl.u32 s14, $0x3  }
0x12: {  	s17 =	sshrl.u32 s17, $0x3;
	v2 =	vor.u32 s21, v32;
	s21 =	sor.u32 $0x470, s19;
	v3 =	vor.u32 s22, v32;
	s22 =	sor.u32 $0x810, s19  }
0x13: {  	v4 =	vor.u32 s23, v32;
	v5 =	vor.u32 s24, v32;
	s23 =	sor.u32 $0x820, s19;
	s24 =	sor.u32 $0x830, s19;
	v6 =	vor.u32 s25, v32;
	s25 =	sor.u32 $0x840, s19  }
0x14: {  	v7 =	vor.u32 s26, v32;
	v8 =	vor.u32 s28, v32;
	s26 =	sor.u32 $0x850, s19;
	s28 =	sor.u32 $0x860, s19;
	v10 =	vor.u32 s31, v32;
	s31 =	sor.u32 $0x870, s19  }
0x15: {  	v11 =	vor.u32 s0, v32;
	s0 =	sor.u32 $0xC10, s19;
	v12 =	vor.u32 s29, v32;
	v14 =	vor.u32 s2, v32;
	s29 =	sor.u32 $0xC20, s19;
	s2 =	sor.u32 $0xC30, s19  }
0x16: {  	v1 =	vor.u32 s20, v32;
	v13 =	vor.u32 s30, v32;
	s30 =	sor.u32 $0xC40, s19;
	[dreg:$0x5] =	wrdreg s18;
	s20 =	sor.u32 $0xC60, s19  }
0x17: {  	v16 =	vor.u32 s13, v32;
	s13 =	simm.s32 $0x80;
	s18 =	simm.s32 $0x400;
	s5 =	sadd.s32 s7, s16  }
0x18: {  	s6 =	sadd.s32 s7, s14;
	s7 =	sadd.s32 s7, s17;
	s9 =	sadd.s32 s11, s16  }
0x19: {  	s10 =	sadd.s32 s11, s14;
	s11 =	sadd.s32 s11, s17;
	[dreg:$0x6] =	wrdreg s20  }
0x1a: {  	s17 =	sor.u32 $0x410, s19;
	v15 =	vor.u32 s21, v32;
	s21 =	sor.u32 $0xC70, s19;
	v27 =	vor.u32 s29, v32;
	s29 =	rddreg [dreg:$0x5]  }
0x1b: {  	v17 =	vor.u32 s19, v32;
	s14 =	simm.s32 $0x100;
	s16 =	simm.s32 $0x1;
	[dreg:$0x7] =	wrdreg s21  }
0x1c: {  	v18 =	vor.u32 s22, v32;
	s19 =	simm.s32 $0x280;
	v29 =	vor.u32 s30, v32;
	v9 =	vor.u32 s17, v32;
	s17 =	sshll.u32 s15, $0x3;
	s30 =	rddreg [dreg:$0x6]  }
0x1d: {  	v19 =	vor.u32 s23, v32;
	v20 =	vor.u32 s24, v32;
	v21 =	vor.u32 s25, v32;
	s20 =	simm.s32 $0x480;
	s22 =	simm.s32 $0x500;
	[dreg:$0x4] =	wrdreg s17  }
0x1e: {  	v22 =	vor.u32 s26, v32;
	v23 =	vor.u32 s28, v32;
	v24 =	vor.u32 s31, v32;
	s23 =	simm.s32 $0x380;
	s24 =	simm.s32 $0x580;
	s31 =	rddreg [dreg:$0x7]  }
0x1f: {  	v26 =	vor.u32 s0, v32;
	v28 =	vor.u32 s2, v32;
	s25 =	simm.s32 $0x2;
	s26 =	simm.s32 $0x3;
	v30 =	vor.u32 s29, v32;
	s28 =	rddreg [dreg:$0x4]  }
0x20: {  	s15 =	simm.s32 $0x180;
	s21 =	simm.s32 $0x300;
	s17 =	simm.s32 $0x200;
	v31 =	vor.u32 s30, v32;
	v25 =	vor.u32 s28, v32;
	v32 =	vor.u32 s31, v32  }
.LBB2_1:
0x21: {  	[tilespmem:s3], [sflag:$0x1] =	stream.linear.gather [hbm4b:s4+s3], $0x80, $0x38;
	[tilespmem:$0x600] =	vst v63  }
0x22: {  	_ = 	snop  }
0x23: {  	[tilespmem:s13], [sflag:$0x1] =	stream.linear.gather [hbm4b:s5+s3], $0x80, $0x38;
	[tilespmem:$0x600] =	vst v63  }
0x24: {  	_ = 	snop  }
0x25: {  	[tilespmem:s14], [sflag:$0x1] =	stream.linear.gather [hbm4b:s6+s3], $0x80, $0x38;
	[tilespmem:$0x600] =	vst v63  }
0x26: {  	_ = 	snop  }
0x27: {  	[tilespmem:s15], [sflag:$0x1] =	stream.linear.gather [hbm4b:s7+s3], $0x80, $0x38;
	[tilespmem:$0x600] =	vst v63  }
0x28: {  	_ =	swait.ge [sflag:s16], $0x80  }
0x29: {  	[sflag:s16] =	ssyncset.done $0x0  }
0x2a: {  	[sflag:s16] =	ssyncadd.s32 $0xFFFFFF80  }
0x2b: {  	v33 =	vld [tilespmem:$0x0]  }
0x2c: {  	v34 =	vld [tilespmem:$0x10]  }
0x2d: {  	v36 =	vld [tilespmem:$0x20]  }
0x2e: {  	v37 =	vld [tilespmem:$0x30]  }
0x2f: {  	v58 =	vld [tilespmem:$0x40]  }
0x30: {  	v40 =	vld [tilespmem:$0x50]  }
0x31: {  	v61 =	vld [tilespmem:$0x60]  }
0x32: {  	v63 =	vld [tilespmem:$0x70];
	v35 =	vadd.s32 v0, v33  }
0x33: {  	v33 =	vshll.u32 v33, $0x7;
	v38 =	vadd.s32 v0, v34;
	v34 =	vshll.u32 v34, $0x7  }
0x34: {  	v59 =	vadd.s32 v0, v36;
	v36 =	vshll.u32 v36, $0x7;
	v39 =	vadd.s32 v0, v37  }
0x35: {  	v37 =	vshll.u32 v37, $0x7;
	v41 =	vadd.s32 v0, v58;
	v44 =	vadd.s32 v0, v40  }
0x36: {  	v40 =	vshll.u32 v40, $0x7;
	v47 =	vadd.s32 v0, v61;
	v51 =	vshll.u32 v61, $0x7  }
0x37: {  	v52 =	vadd.s32 v0, v63;
	v53 =	vshll.u32 v63, $0x7;
	v35 =	vshll.u32 v35, $0xC  }
0x38: {  	v33 =	vand.u32 $0x380, v33;
	v38 =	vshll.u32 v38, $0xC;
	v34 =	vand.u32 $0x380, v34  }
0x39: {  	v36 =	vand.u32 $0x380, v36;
	v39 =	vshll.u32 v39, $0xC;
	v37 =	vand.u32 $0x380, v37  }
0x3a: {  	v41 =	vshll.u32 v41, $0xC;
	v45 =	vshll.u32 v44, $0xC;
	v46 =	vand.u32 $0x380, v40  }
0x3b: {  	v49 =	vshll.u32 v47, $0xC;
	v54 =	vand.u32 $0x380, v53;
	v35 =	vand.u32 $0xFFFF8000, v35  }
0x3c: {  	v33 =	vor.u32 v33, v17;
	v57 =	vand.u32 $0xFFFF8000, v38;
	v34 =	vor.u32 v34, v1  }
0x3d: {  	v36 =	vor.u32 v36, v2;
	v60 =	vand.u32 $0xFFFF8000, v39;
	v38 =	vshll.u32 v58, $0x7  }
0x3e: {  	v37 =	vor.u32 v37, v3;
	v33 =	vor.u32 v35, v33;
	v35 =	vshll.u32 v59, $0xC  }
0x3f: {  	v62 =	vand.u32 $0xFFFF8000, v41;
	v34 =	vor.u32 v57, v34;
	v35 =	vand.u32 $0xFFFF8000, v35;
	[tilespmem:$0x200] =	vst v33  }
0x40: {  	v48 =	vor.u32 v46, v5;
	v38 =	vand.u32 $0x380, v38;
	[tilespmem:$0x210] =	vst v34;
	v35 =	vor.u32 v35, v36  }
0x41: {  	v50 =	vand.u32 $0xFFFF8000, v49;
	v38 =	vor.u32 v38, v4;
	v36 =	vor.u32 v60, v37;
	[tilespmem:$0x220] =	vst v35  }
0x42: {  	v33 =	vand.u32 $0xFFFF8000, v45;
	v37 =	vor.u32 v62, v38;
	[tilespmem:$0x230] =	vst v36;
	v35 =	vand.u32 $0x380, v51  }
0x43: {  	v33 =	vor.u32 v33, v48;
	[tilespmem:$0x240] =	vst v37;
	v36 =	vshll.u32 v52, $0xC;
	v35 =	vor.u32 v35, v6  }
0x44: {  	v57 =	vor.u32 v54, v7;
	[tilespmem:$0x250] =	vst v33;
	v56 =	vand.u32 $0xFFFF8000, v36;
	v55 =	vor.u32 v50, v35  }
0x45: {  	v58 =	vor.u32 v56, v57;
	[tilespmem:$0x260] =	vst v55  }
0x46: {  	[tilespmem:$0x270] =	vst v58  }
0x47: {  	[tilespmem:s18], [sflag:$0x2] =	stream.indirect.gather [hbm4b:s1+s13], $0x1, s17, s13, $0xb8;
	[tilespmem:$0x600] =	vst v63  }
0x48: {  	_ =	swait.ge [sflag:s16], $0x80  }
0x49: {  	[sflag:s16] =	ssyncset.done $0x0  }
0x4a: {  	[sflag:s16] =	ssyncadd.s32 $0xFFFFFF80  }
0x4b: {  	v59 =	vld [tilespmem:$0x80]  }
0x4c: {  	v60 =	vld [tilespmem:$0x90]  }
0x4d: {  	v62 =	vld [tilespmem:$0xA0]  }
0x4e: {  	v63 =	vld [tilespmem:$0xB0]  }
0x4f: {  	v44 =	vld [tilespmem:$0xC0]  }
0x50: {  	v47 =	vld [tilespmem:$0xD0]  }
0x51: {  	v49 =	vld [tilespmem:$0xE0]  }
0x52: {  	v52 =	vld [tilespmem:$0xF0];
	v61 =	vadd.s32 v0, v59  }
0x53: {  	v33 =	vshll.u32 v59, $0x7;
	v42 =	vadd.s32 v0, v60;
	v34 =	vshll.u32 v60, $0x7  }
0x54: {  	v45 =	vadd.s32 v0, v62;
	v36 =	vshll.u32 v62, $0x7;
	v46 =	vadd.s32 v0, v63  }
0x55: {  	v37 =	vshll.u32 v63, $0x7;
	v50 =	vadd.s32 v0, v44;
	v53 =	vadd.s32 v0, v47  }
0x56: {  	v40 =	vshll.u32 v47, $0x7;
	v56 =	vadd.s32 v0, v49;
	v60 =	vshll.u32 v49, $0x7  }
0x57: {  	v62 =	vshll.u32 v52, $0x7;
	v35 =	vshll.u32 v61, $0xC;
	v33 =	vand.u32 $0x380, v33  }
0x58: {  	v38 =	vshll.u32 v42, $0xC;
	v34 =	vand.u32 $0x380, v34;
	v36 =	vand.u32 $0x380, v36  }
0x59: {  	v39 =	vshll.u32 v46, $0xC;
	v37 =	vand.u32 $0x380, v37;
	v41 =	vshll.u32 v50, $0xC  }
0x5a: {  	v54 =	vshll.u32 v53, $0xC;
	v55 =	vand.u32 $0x380, v40;
	v58 =	vshll.u32 v56, $0xC  }
0x5b: {  	v61 =	vadd.s32 v0, v52;
	v63 =	vand.u32 $0x380, v62;
	v35 =	vand.u32 $0xFFFF8000, v35  }
0x5c: {  	v33 =	vor.u32 v33, v8;
	v43 =	vand.u32 $0xFFFF8000, v38;
	v34 =	vor.u32 v34, v9  }
0x5d: {  	v36 =	vor.u32 v36, v10;
	v48 =	vand.u32 $0xFFFF8000, v39;
	v38 =	vshll.u32 v44, $0x7  }
0x5e: {  	v37 =	vor.u32 v37, v11;
	v33 =	vor.u32 v35, v33;
	v35 =	vshll.u32 v45, $0xC  }
0x5f: {  	v51 =	vand.u32 $0xFFFF8000, v41;
	v34 =	vor.u32 v43, v34;
	v35 =	vand.u32 $0xFFFF8000, v35;
	[tilespmem:$0x280] =	vst v33  }
0x60: {  	v57 =	vor.u32 v55, v13;
	v38 =	vand.u32 $0x380, v38;
	[tilespmem:$0x290] =	vst v34;
	v35 =	vor.u32 v35, v36  }
0x61: {  	v59 =	vand.u32 $0xFFFF8000, v58;
	v38 =	vor.u32 v38, v12;
	v36 =	vor.u32 v48, v37;
	[tilespmem:$0x2A0] =	vst v35  }
0x62: {  	v33 =	vand.u32 $0xFFFF8000, v54;
	v37 =	vor.u32 v51, v38;
	[tilespmem:$0x2B0] =	vst v36;
	v35 =	vand.u32 $0x380, v60  }
0x63: {  	v33 =	vor.u32 v33, v57;
	[tilespmem:$0x2C0] =	vst v37;
	v36 =	vshll.u32 v61, $0xC;
	v35 =	vor.u32 v35, v14  }
0x64: {  	v42 =	vor.u32 v63, v15;
	[tilespmem:$0x2D0] =	vst v33;
	v41 =	vand.u32 $0xFFFF8000, v36;
	v40 =	vor.u32 v59, v35  }
0x65: {  	v43 =	vor.u32 v41, v42;
	[tilespmem:$0x2E0] =	vst v40  }
0x66: {  	[tilespmem:$0x2F0] =	vst v43  }
0x67: {  	[tilespmem:s20], [sflag:$0x2] =	stream.indirect.gather [hbm4b:s1+s13], $0x1, s19, s13, $0xb8;
	[tilespmem:$0x600] =	vst v63  }
0x68: {  	_ =	swait.ge [sflag:s16], $0x80  }
0x69: {  	[sflag:s16] =	ssyncset.done $0x0  }
0x6a: {  	[sflag:s16] =	ssyncadd.s32 $0xFFFFFF80  }
0x6b: {  	v44 =	vld [tilespmem:$0x100]  }
0x6c: {  	v45 =	vld [tilespmem:$0x110]  }
0x6d: {  	v47 =	vld [tilespmem:$0x120]  }
0x6e: {  	v48 =	vld [tilespmem:$0x130]  }
0x6f: {  	v51 =	vld [tilespmem:$0x140]  }
0x70: {  	v54 =	vld [tilespmem:$0x150]  }
0x71: {  	v56 =	vld [tilespmem:$0x160]  }
0x72: {  	v59 =	vld [tilespmem:$0x170];
	v46 =	vadd.s32 v0, v44  }
0x73: {  	v33 =	vshll.u32 v44, $0x7;
	v49 =	vadd.s32 v0, v45;
	v34 =	vshll.u32 v45, $0x7  }
0x74: {  	v52 =	vadd.s32 v0, v47;
	v36 =	vshll.u32 v47, $0x7;
	v53 =	vadd.s32 v0, v48  }
0x75: {  	v37 =	vshll.u32 v48, $0x7;
	v57 =	vadd.s32 v0, v51;
	v60 =	vadd.s32 v0, v54  }
0x76: {  	v40 =	vshll.u32 v54, $0x7;
	v63 =	vadd.s32 v0, v56;
	v45 =	vshll.u32 v56, $0x7  }
0x77: {  	v47 =	vshll.u32 v59, $0x7;
	v35 =	vshll.u32 v46, $0xC;
	v33 =	vand.u32 $0x380, v33  }
0x78: {  	v38 =	vshll.u32 v49, $0xC;
	v34 =	vand.u32 $0x380, v34;
	v36 =	vand.u32 $0x380, v36  }
0x79: {  	v39 =	vshll.u32 v53, $0xC;
	v37 =	vand.u32 $0x380, v37;
	v41 =	vshll.u32 v57, $0xC  }
0x7a: {  	v61 =	vshll.u32 v60, $0xC;
	v62 =	vand.u32 $0x380, v40;
	v43 =	vshll.u32 v63, $0xC  }
0x7b: {  	v46 =	vadd.s32 v0, v59;
	v48 =	vand.u32 $0x380, v47;
	v35 =	vand.u32 $0xFFFF8000, v35  }
0x7c: {  	v33 =	vor.u32 v33, v16;
	v50 =	vand.u32 $0xFFFF8000, v38;
	v34 =	vor.u32 v34, v18  }
0x7d: {  	v36 =	vor.u32 v36, v19;
	v55 =	vand.u32 $0xFFFF8000, v39;
	v38 =	vshll.u32 v51, $0x7  }
0x7e: {  	v37 =	vor.u32 v37, v20;
	v33 =	vor.u32 v35, v33;
	v35 =	vshll.u32 v52, $0xC  }
0x7f: {  	v58 =	vand.u32 $0xFFFF8000, v41;
	v34 =	vor.u32 v50, v34;
	v35 =	vand.u32 $0xFFFF8000, v35;
	[tilespmem:$0x300] =	vst v33  }
0x80: {  	v42 =	vor.u32 v62, v22;
	v38 =	vand.u32 $0x380, v38;
	[tilespmem:$0x310] =	vst v34;
	v35 =	vor.u32 v35, v36  }
0x81: {  	v44 =	vand.u32 $0xFFFF8000, v43;
	v38 =	vor.u32 v38, v21;
	v36 =	vor.u32 v55, v37;
	[tilespmem:$0x320] =	vst v35  }
0x82: {  	v33 =	vand.u32 $0xFFFF8000, v61;
	v37 =	vor.u32 v58, v38;
	[tilespmem:$0x330] =	vst v36;
	v35 =	vand.u32 $0x380, v45  }
0x83: {  	v33 =	vor.u32 v33, v42;
	[tilespmem:$0x340] =	vst v37;
	v36 =	vshll.u32 v46, $0xC;
	v35 =	vor.u32 v35, v23  }
0x84: {  	v51 =	vor.u32 v48, v24;
	[tilespmem:$0x350] =	vst v33;
	v50 =	vand.u32 $0xFFFF8000, v36;
	v49 =	vor.u32 v44, v35  }
0x85: {  	v52 =	vor.u32 v50, v51;
	[tilespmem:$0x360] =	vst v49  }
0x86: {  	[tilespmem:$0x370] =	vst v52  }
0x87: {  	[tilespmem:s22], [sflag:$0x2] =	stream.indirect.gather [hbm4b:s1+s13], $0x1, s21, s13, $0xb8;
	[tilespmem:$0x600] =	vst v63  }
0x88: {  	_ =	swait.ge [sflag:s16], $0x80  }
0x89: {  	[sflag:s16] =	ssyncset.done $0x0  }
0x8a: {  	[sflag:s16] =	ssyncadd.s32 $0xFFFFFF80  }
0x8b: {  	v53 =	vld [tilespmem:$0x180]  }
0x8c: {  	v54 =	vld [tilespmem:$0x190]  }
0x8d: {  	v56 =	vld [tilespmem:$0x1A0]  }
0x8e: {  	v57 =	vld [tilespmem:$0x1B0]  }
0x8f: {  	v60 =	vld [tilespmem:$0x1C0]  }
0x90: {  	v63 =	vld [tilespmem:$0x1D0]  }
0x91: {  	v45 =	vld [tilespmem:$0x1E0]  }
0x92: {  	v48 =	vld [tilespmem:$0x1F0];
	v55 =	vadd.s32 v0, v53  }
0x93: {  	v33 =	vshll.u32 v53, $0x7;
	v58 =	vadd.s32 v0, v54;
	v34 =	vshll.u32 v54, $0x7  }
0x94: {  	v61 =	vadd.s32 v0, v56;
	v36 =	vshll.u32 v56, $0x7;
	v62 =	vadd.s32 v0, v57  }
0x95: {  	v37 =	vshll.u32 v57, $0x7;
	v46 =	vadd.s32 v0, v60;
	v49 =	vadd.s32 v0, v63  }
0x96: {  	v40 =	vshll.u32 v63, $0x7;
	v52 =	vadd.s32 v0, v45;
	v56 =	vshll.u32 v45, $0x7  }
0x97: {  	v57 =	vadd.s32 v0, v48;
	v35 =	vshll.u32 v55, $0xC;
	v33 =	vand.u32 $0x380, v33  }
0x98: {  	v38 =	vshll.u32 v58, $0xC;
	v34 =	vand.u32 $0x380, v34;
	v36 =	vand.u32 $0x380, v36  }
0x99: {  	v39 =	vshll.u32 v62, $0xC;
	v37 =	vand.u32 $0x380, v37;
	v41 =	vshll.u32 v46, $0xC  }
0x9a: {  	v50 =	vshll.u32 v49, $0xC;
	v51 =	vand.u32 $0x380, v40;
	v54 =	vshll.u32 v52, $0xC  }
0x9b: {  	v58 =	vshll.u32 v48, $0x7;
	v35 =	vand.u32 $0xFFFF8000, v35;
	v33 =	vor.u32 v33, v25  }
0x9c: {  	v59 =	vand.u32 $0xFFFF8000, v38;
	v34 =	vor.u32 v34, v26;
	v36 =	vor.u32 v36, v27  }
0x9d: {  	v44 =	vand.u32 $0xFFFF8000, v39;
	v38 =	vshll.u32 v60, $0x7;
	v37 =	vor.u32 v37, v28  }
0x9e: {  	v47 =	vand.u32 $0xFFFF8000, v41;
	v33 =	vor.u32 v35, v33;
	v35 =	vshll.u32 v61, $0xC  }
0x9f: {  	v53 =	vor.u32 v51, v30;
	v34 =	vor.u32 v59, v34;
	v35 =	vand.u32 $0xFFFF8000, v35;
	[tilespmem:$0x380] =	vst v33  }
0xa0: {  	v55 =	vand.u32 $0xFFFF8000, v54;
	v38 =	vand.u32 $0x380, v38;
	[tilespmem:$0x390] =	vst v34;
	v35 =	vor.u32 v35, v36  }
0xa1: {  	v59 =	vand.u32 $0x380, v58;
	v38 =	vor.u32 v38, v29;
	v36 =	vor.u32 v44, v37;
	[tilespmem:$0x3A0] =	vst v35  }
0xa2: {  	v33 =	vand.u32 $0xFFFF8000, v50;
	v37 =	vor.u32 v47, v38;
	[tilespmem:$0x3B0] =	vst v36;
	v35 =	vand.u32 $0x380, v56  }
0xa3: {  	v33 =	vor.u32 v33, v53;
	[tilespmem:$0x3C0] =	vst v37;
	v36 =	vshll.u32 v57, $0xC;
	v35 =	vor.u32 v35, v31  }
0xa4: {  	v62 =	vor.u32 v59, v32;
	[tilespmem:$0x3D0] =	vst v33;
	v61 =	vand.u32 $0xFFFF8000, v36;
	v60 =	vor.u32 v55, v35  }
0xa5: {  	v63 =	vor.u32 v61, v62;
	[tilespmem:$0x3E0] =	vst v60  }
0xa6: {  	[tilespmem:$0x3F0] =	vst v63  }
0xa7: {  	[tilespmem:s24], [sflag:$0x2] =	stream.indirect.gather [hbm4b:s1+s13], $0x1, s23, s13, $0xb8;
	[tilespmem:$0x600] =	vst v63  }
0xa8: {  	_ =	swait.ge [sflag:s25], $0x80  }
0xa9: {  	[sflag:s25] =	ssyncset.done $0x0  }
0xaa: {  	[sflag:s25] =	ssyncadd.s32 $0xFFFFFF80  }
0xab: {  	[hbm4b:s8+s3] =	stream.linear.scatter [tilespmem:s18], [sflag:$0x3], $0x80, $0x38;
	[tilespmem:$0x600] =	vst v63  }
0xac: {  	_ =	swait.ge [sflag:s25], $0x80  }
0xad: {  	[sflag:s25] =	ssyncset.done $0x0  }
0xae: {  	[sflag:s25] =	ssyncadd.s32 $0xFFFFFF80  }
0xaf: {  	[hbm4b:s9+s3] =	stream.linear.scatter [tilespmem:s20], [sflag:$0x3], $0x80, $0x38;
	[tilespmem:$0x600] =	vst v63  }
0xb0: {  	_ =	swait.ge [sflag:s25], $0x80  }
0xb1: {  	[sflag:s25] =	ssyncset.done $0x0  }
0xb2: {  	[sflag:s25] =	ssyncadd.s32 $0xFFFFFF80  }
0xb3: {  	[hbm4b:s10+s3] =	stream.linear.scatter [tilespmem:s22], [sflag:$0x3], $0x80, $0x38;
	[tilespmem:$0x600] =	vst v63  }
0xb4: {  	_ =	swait.ge [sflag:s25], $0x80  }
0xb5: {  	[sflag:s25] =	ssyncset.done $0x0  }
0xb6: {  	[sflag:s25] =	ssyncadd.s32 $0xFFFFFF80  }
0xb7: {  	[hbm4b:s11+s3] =	stream.linear.scatter [tilespmem:s24], [sflag:$0x3], $0x80, $0x38;
	[tilespmem:$0x600] =	vst v63  }
0xb8: {  	_ =	swait.ge [sflag:s26], $0x80  }
0xb9: {  	[sflag:s26] =	ssyncset.done $0x0  }
0xba: {  	[sflag:s26] =	ssyncadd.s32 $0xFFFFFF80  }
0xbb: {  	_ =	swait.ge [sflag:s26], $0x80  }
0xbc: {  	[sflag:s26] =	ssyncset.done $0x0  }
0xbd: {  	[sflag:s26] =	ssyncadd.s32 $0xFFFFFF80  }
0xbe: {  	p0 =	sne.s32 s12, $0x1;
	_ =	swait.ge [sflag:s26], $0x80  }
.Ltmp0:
0xbf: {  	[sflag:s26] =	ssyncset.done $0x0;
	(pc) =	sbr.rel @p0 .LBB2_1-.Ltmp0, $4  }
0xc0: {  	[sflag:s26] =	ssyncadd.s32 $0xFFFFFF80  }
0xc1: {  	_ =	swait.ge [sflag:s26], $0x80  }
0xc2: {  	[sflag:s26] =	ssyncset.done $0x0  }
0xc3: {  	s12 =	sadd.s32 $0xFFFFFFFF, s12;
	[sflag:s26] =	ssyncadd.s32 $0xFFFFFF80  }
0xc4: {  	_ =	sfence.sel $0x180000  }
0xc5: {  	[bflag:$0x0] =	sbarrier.arrive $0xFFFF  }
0xc6: {  	_ =	strace $0x90000047  }
0xc7: {  	s0 =	stileid.u32;
	[bflag:$0x2] =	sbarrier.arrive $0xFFFF  }
0xc8: {  	p0 =	sne.s32 s0, $0x0;
	s0 =	rddreg [dreg:$0x3]  }
0xc9: {  	s0 =	sadd.s32 @!p0 $0x100000, s0  }
0xca: {  	[sflag:s0] =	ssyncadd.tile.s32 @!p0 $0x1;
	_ =	shalt  }
.Lfunc_end2:
_tile_overlayer_lowered:
.L_overlay_start_2:
0xcb: {  	(tag) =	ssettag $0x2  }
0xcc: {  	s0 =	rddreg [dreg:$0x0];
	s2 =	stileid.u32  }
0xcd: {  	s1 =	rddreg [dreg:$0x1];
	p0 =	sne.s32 s2, $0x0  }
0xce: {  	s3 =	rddreg [dreg:$0x2];
	[bflag:$0x3] =	sbarrier.arrive $0xFFFF;
	s2 =	simm.s32 @!p0 $0x1C04  }
0xcf: {  	[timem:s3], [sflag:s2] =	dma.local @!p0 [hbm:s0], s1  }
0xd0: {  	s0 =	simm.s32 @!p0 $0x4  }
0xd1: {  	_ =	swait.ge @!p0 [sflag:s0], s1  }
0xd2: {  	s1 =	ssub.s32 @!p0 $0x0, s1;
	[sflag:s0] =	ssyncset.done @!p0 $0x0  }
0xd3: {  	[sflag:s0] =	ssyncadd.s32 @!p0 s1  }
0xd4: {  	[bflag:$0x3] =	sbarrier.arrive $0xFFFF  }
0xd5: {  	_ =	shalt  }

</sc_bundles>
